<compile_context>
chip_gen: v7x
topology: tpu7x:2x2x1
jax: 0.10.2.dev20260603
libtpu: 0.0.44.dev20260713+nightly
codegen_flags: <defaults>
</compile_context>

<pallas_src>
import functools

import jax
import jax.numpy as jnp
from jax import lax
from jax.experimental import pallas as pl
from jax.experimental.pallas import tpu as pltpu
from jax.experimental.pallas import tpu_sc as plsc

_BLK = 2000
_HBLK = _BLK // 2
_CHUNK = 80


def _rne_hi16(v):
    return v + (0x7FFF + (lax.shift_right_logical(v, 16) & 1))


def _pack_words(x):
    h = x.shape[1] // 2
    a = lax.bitcast_convert_type(x[:, :h], jnp.int32)
    b = lax.bitcast_convert_type(x[:, h:], jnp.int32)
    return lax.shift_right_logical(_rne_hi16(a), 16) | (
        _rne_hi16(b) & jnp.int32(-65536))


def _proj_body(nf_ref, ws_ref, wd_ref, p_ref, q_ref):
    nf = nf_ref[...]
    p_ref[...] = _pack_words(
        jnp.dot(nf, ws_ref[...], preferred_element_type=jnp.float32))
    q_ref[...] = _pack_words(
        jnp.dot(nf, wd_ref[...], preferred_element_type=jnp.float32))


def _node_proj(node_feat, w_s, w_d):
    n, d = node_feat.shape
    out_dim = w_s.shape[1]
    blk = 2000
    grid = n // blk
    return pl.pallas_call(
        _proj_body,
        grid=(grid,),
        in_specs=[
            pl.BlockSpec((blk, d), lambda i: (i, 0)),
            pl.BlockSpec((d, out_dim), lambda i: (0, 0)),
            pl.BlockSpec((d, out_dim), lambda i: (0, 0)),
        ],
        out_specs=[
            pl.BlockSpec((blk, out_dim // 2), lambda i: (i, 0)),
            pl.BlockSpec((blk, out_dim // 2), lambda i: (i, 0)),
        ],
        out_shape=[
            jax.ShapeDtypeStruct((n, out_dim // 2), jnp.int32),
            jax.ShapeDtypeStruct((n, out_dim // 2), jnp.int32),
        ],
        compiler_params=pltpu.CompilerParams(
            dimension_semantics=("parallel",),
        ),
    )(node_feat, w_s, w_d)


def _sc_gather_add(p, q, src, dst):
    n, dw = p.shape
    d = dw * 2
    e = src.shape[0]
    info = plsc.get_sparse_core_info()
    nc, ns = info.num_cores, info.num_subcores
    nw = nc * ns
    per_w = e // nw
    chunk = _CHUNK
    hp = chunk // 2
    n_chunks = per_w // chunk
    half = (n_chunks - 1) // 2
    cpb = _HBLK // hp
    mesh = plsc.VectorSubcoreMesh(core_axis_name="c", subcore_axis_name="s")

    @functools.partial(
        pl.kernel,
        mesh=mesh,
        compiler_params=pltpu.CompilerParams(
            needs_layout_passes=False, use_tc_tiling_on_sc=False),
        out_type=jax.ShapeDtypeStruct((e // 2, d), jnp.int32),
        scratch_types=[
            pltpu.VMEM((per_w,), jnp.int32),
            pltpu.VMEM((per_w,), jnp.int32),
            pltpu.VMEM((chunk, dw), jnp.int32),
            pltpu.VMEM((chunk, dw), jnp.int32),
            pltpu.VMEM((chunk, dw), jnp.int32),
            pltpu.VMEM((chunk, dw), jnp.int32),
            pltpu.VMEM((hp, d), jnp.int32),
            pltpu.VMEM((hp, d), jnp.int32),
            pltpu.SemaphoreType.DMA,
            pltpu.SemaphoreType.DMA,
            pltpu.SemaphoreType.DMA,
            pltpu.SemaphoreType.DMA,
        ],
    )
    def k(p_hbm, q_hbm, src_hbm, dst_hbm, out_hbm,
          idxs, idxd, bufp0, bufq0, bufp1, bufq1, outb0, outb1,
          gsem0, gsem1, osem0, osem1):
        wid = lax.axis_index("s") * nc + lax.axis_index("c")
        w_base = pl.multiple_of(wid * per_w, 8)
        w_base2 = pl.multiple_of(wid * (per_w // 2), 8)
        bufp = (bufp0, bufp1)
        bufq = (bufq0, bufq1)
        outb = (outb0, outb1)
        gsem = (gsem0, gsem1)
        osem = (osem0, osem1)

        pltpu.sync_copy(src_hbm.at[pl.ds(w_base, per_w)], idxs)
        pltpu.sync_copy(dst_hbm.at[pl.ds(w_base, per_w)], idxd)

        def lo_off(c):
            fb = c // cpb
            t = c % cpb
            return pl.multiple_of(fb * _BLK + t * hp, 8)

        def fire_gathers(c, s):
            off = pl.multiple_of(lo_off(c), 8)
            pltpu.async_copy(
                p_hbm.at[idxs.at[pl.ds(off, hp)]], bufp[s].at[pl.ds(0, hp)], gsem[s])
            pltpu.async_copy(
                q_hbm.at[idxd.at[pl.ds(off, hp)]], bufq[s].at[pl.ds(0, hp)], gsem[s])
            pltpu.async_copy(
                p_hbm.at[idxs.at[pl.ds(pl.multiple_of(off + _HBLK, 8), hp)]],
                bufp[s].at[pl.ds(hp, hp)], gsem[s])
            pltpu.async_copy(
                q_hbm.at[idxd.at[pl.ds(pl.multiple_of(off + _HBLK, 8), hp)]],
                bufq[s].at[pl.ds(hp, hp)], gsem[s])

        def wait_gathers(s):
            pltpu.make_async_copy(
                p_hbm.at[idxs.at[pl.ds(0, hp)]], bufp[s].at[pl.ds(0, hp)], gsem[s]).wait()
            pltpu.make_async_copy(
                q_hbm.at[idxd.at[pl.ds(0, hp)]], bufq[s].at[pl.ds(0, hp)], gsem[s]).wait()
            pltpu.make_async_copy(
                p_hbm.at[idxs.at[pl.ds(0, hp)]], bufp[s].at[pl.ds(hp, hp)], gsem[s]).wait()
            pltpu.make_async_copy(
                q_hbm.at[idxd.at[pl.ds(0, hp)]], bufq[s].at[pl.ds(hp, hp)], gsem[s]).wait()

        def add_pack(s):
            bp, bq, ob = bufp[s], bufq[s], outb[s]

            def bfadd(x, y):
                return plsc.bitcast(
                    plsc.bitcast(x, jnp.bfloat16) + plsc.bitcast(y, jnp.bfloat16),
                    jnp.int32)

            def pair_body(j, cc):
                for g in range(dw // 16):
                    sl = pl.ds(g * 16, 16)
                    sa = bfadd(bp[j, sl], bq[j, sl])
                    sb = bfadd(bp[j + hp, sl], bq[j + hp, sl])
                    ob[j, sl] = (sa & 0xFFFF) | lax.shift_left(sb, 16)
                    ob[j, pl.ds(dw + g * 16, 16)] = (
                        lax.shift_right_logical(sa, 16) | (sb & jnp.int32(-65536)))
                return cc

            lax.fori_loop(0, hp, pair_body, 0)

        def fire_out(c, s):
            fb = c // cpb
            t = c % cpb
            row = pl.multiple_of(w_base2 + fb * _HBLK + t * hp, 8)
            pltpu.async_copy(outb[s], out_hbm.at[pl.ds(row, hp)], osem[s])

        def wait_out(s):
            pltpu.make_async_copy(
                outb[s], out_hbm.at[pl.ds(w_base2, hp)], osem[s]).wait()

        fire_gathers(0, 0)

        def body(t, carry):
            c0 = 2 * t
            fire_gathers(c0 + 1, 1)
            wait_gathers(0)

            @pl.when(t > 0)
            def _():
                wait_out(0)

            add_pack(0)
            fire_out(c0, 0)
            fire_gathers(c0 + 2, 0)
            wait_gathers(1)

            @pl.when(t > 0)
            def _():
                wait_out(1)

            add_pack(1)
            fire_out(c0 + 1, 1)
            return carry

        lax.fori_loop(0, half, body, 0)
        wait_gathers(0)
        wait_out(0)
        add_pack(0)
        fire_out(n_chunks - 1, 0)
        wait_out(0)
        wait_out(1)

    return k(p, q, src, dst)


def _final_body(g2_ref, ea_ref, we_ref, b_ref, out_ref):
    w = g2_ref[...]
    lo = lax.bitcast_convert_type(w << 16, jnp.float32)
    hi = lax.bitcast_convert_type(w & jnp.int32(-65536), jnp.float32)
    g = jnp.concatenate([lo, hi], axis=0)
    mm = jnp.dot(ea_ref[...], we_ref[...], preferred_element_type=jnp.float32)
    out_ref[...] = g + mm + b_ref[...]


def _final(g2, edge_attr, w_e, b2d):
    e2, d = g2.shape
    e = e2 * 2
    d_edge = edge_attr.shape[1]
    grid = e // _BLK
    return pl.pallas_call(
        _final_body,
        grid=(grid,),
        in_specs=[
            pl.BlockSpec((_HBLK, d), lambda i: (i, 0)),
            pl.BlockSpec((_BLK, d_edge), lambda i: (i, 0)),
            pl.BlockSpec((d_edge, d), lambda i: (0, 0)),
            pl.BlockSpec((1, d), lambda i: (0, 0)),
        ],
        out_specs=pl.BlockSpec((_BLK, d), lambda i: (i, 0)),
        out_shape=jax.ShapeDtypeStruct((e, d), jnp.float32),
        compiler_params=pltpu.CompilerParams(
            dimension_semantics=("parallel",),
        ),
    )(g2, edge_attr, w_e, b2d)


def kernel(node_feat, edge_attr, edge_index, W, b):
    d_edge = edge_attr.shape[1]
    d_feat = node_feat.shape[1]
    w_e = W[:d_edge]
    w_s = W[d_edge:d_edge + d_feat]
    w_d = W[d_edge + d_feat:]
    src = edge_index[0]
    dst = edge_index[1]
    p, q = _node_proj(node_feat, w_s, w_d)
    g2 = _sc_gather_add(p, q, src, dst)
    return _final(g2, edge_attr, w_e, b.reshape(1, -1))

# --- scband reference (transcript-rebuilt; emitter-appended) ---
"""Pipeline reference for scband-discriminator-edge-net-17231408792147 (READ-ONLY COPY).

The authoritative reference and input builder live on the scoring server;
editing this copy changes nothing except your own understanding.
"""

import jax, jax.numpy as jnp
import numpy as np

N_NODES = 10000
N_EDGES = 320000
D_FEAT = 128
D_EDGE = 16
OUT_DIM = 128
IN_DIM = D_EDGE + 2 * D_FEAT  # EdgeFeatureExpansion default: concat(edge_attr, x_src, x_dst)


def setup_inputs(seed: int = 0) -> dict:
    key = jax.random.key(seed)
    k1, k2, k3, k4 = jax.random.split(key, 4)
    node_feat = jax.random.normal(k1, (N_NODES, D_FEAT), dtype=jnp.float32)
    edge_attr = jax.random.normal(k2, (N_EDGES, D_EDGE), dtype=jnp.float32)
    edge_index = jax.random.randint(k3, (2, N_EDGES), 0, N_NODES, dtype=jnp.int32)
    # MLP params: hidden_depth=0 -> single Linear(IN_DIM, OUT_DIM), no out activation
    W = jax.random.normal(k4, (IN_DIM, OUT_DIM), dtype=jnp.float32) / jnp.sqrt(IN_DIM)
    b = jnp.zeros((OUT_DIM,), dtype=jnp.float32)
    return {"node_feat": node_feat, "edge_attr": edge_attr, "edge_index": edge_index, "W": W, "b": b}


def reference(node_feat, edge_attr, edge_index, W, b):
    # EdgeFeatureExpansion: gather endpoint node features per edge and concat with edge_attr
    src = jnp.take(node_feat, edge_index[0], axis=0)   # [E, D_FEAT]
    dst = jnp.take(node_feat, edge_index[1], axis=0)   # [E, D_FEAT]
    feats = jnp.concatenate([edge_attr, src, dst], axis=-1)  # [E, IN_DIM]
    # MLP with hidden_depth=0: single linear projection, out_act=None
    out = feats @ W + b                                 # [E, OUT_DIM]
    return out

if __name__ == "__main__":
    import jax
    _d = setup_inputs()
    print(jax.jit(kernel)(*tuple(_d.values())))

</pallas_src>

<mosaic_0001>
#map = affine_map<(d0, d1) -> (0, 0)>
#map1 = affine_map<(d0, d1) -> (0)>
module attributes {stable_mosaic.version = 14 : i64} {
  func.func @k(%arg0: i32, %arg1: i32, %arg2: memref<10000x64xi32, #tpu.memory_space<hbm>>, %arg3: memref<10000x64xi32, #tpu.memory_space<hbm>>, %arg4: memref<320000xi32, #tpu.memory_space<hbm>>, %arg5: memref<320000xi32, #tpu.memory_space<hbm>>, %arg6: memref<160000x128xi32, #tpu.memory_space<hbm>>, %arg7: memref<10000xi32, #tpu.memory_space<vmem>>, %arg8: memref<10000xi32, #tpu.memory_space<vmem>>, %arg9: memref<80x64xi32, #tpu.memory_space<vmem>>, %arg10: memref<80x64xi32, #tpu.memory_space<vmem>>, %arg11: memref<80x64xi32, #tpu.memory_space<vmem>>, %arg12: memref<80x64xi32, #tpu.memory_space<vmem>>, %arg13: memref<40x128xi32, #tpu.memory_space<vmem>>, %arg14: memref<40x128xi32, #tpu.memory_space<vmem>>, %arg15: memref<!tpu.dma_semaphore, #tpu.memory_space<semaphore_mem>>, %arg16: memref<!tpu.dma_semaphore, #tpu.memory_space<semaphore_mem>>, %arg17: memref<!tpu.dma_semaphore, #tpu.memory_space<semaphore_mem>>, %arg18: memref<!tpu.dma_semaphore, #tpu.memory_space<semaphore_mem>>) attributes {dimension_semantics = [#tpu.dimension_semantics<core_parallel>, #tpu.dimension_semantics<subcore_parallel>], iteration_bounds = array<i64: 2, 16>, scalar_prefetch = 0 : i64, scratch_operands = 12 : i64, tpu.core_type = #tpu.core_type<sc_vector_subcore>, window_params = [{transform_indices = #map}, {transform_indices = #map}, {transform_indices = #map1}, {transform_indices = #map1}, {transform_indices = #map}]} {
    %mul3A = arith.constant 2 : i32
    %mul3A_0 = arith.muli %arg1, %mul3A : i32
    %add3A = arith.addi %mul3A_0, %arg0 : i32
    %mul3A_1 = arith.constant 10000 : i32
    %mul3A_2 = arith.muli %add3A, %mul3A_1 : i32
    %multiple_of3A = tpu.assume_multiple %mul3A_2, 8 : i32
    %mul3A_3 = arith.constant 5000 : i32
    %mul3A_4 = arith.muli %add3A, %mul3A_3 : i32
    %multiple_of3A_5 = tpu.assume_multiple %mul3A_4, 8 : i32
    "tpu.region"() ({
      %run_scoped3A = tpu.sem_alloc : memref<!tpu.dma_semaphore, #tpu.memory_space<semaphore_mem>>
      %dma_start3A_105 = tpu.memref_slice %arg4[%multiple_of3A] : memref<320000xi32, #tpu.memory_space<hbm>> -> memref<10000xi32, #tpu.memory_space<hbm>>
      %dma_start3A_106 = tpu.memref_slice %arg4[%multiple_of3A] : memref<320000xi32, #tpu.memory_space<hbm>> -> memref<10000xi32, #tpu.memory_space<hbm>>
      tpu.enqueue_dma source(%dma_start3A_106 : memref<10000xi32, #tpu.memory_space<hbm>>) target(%arg7 : memref<10000xi32, #tpu.memory_space<vmem>>) target_semaphore(%run_scoped3A : memref<!tpu.dma_semaphore, #tpu.memory_space<semaphore_mem>>)
      %dma_wait3A_107 = tpu.memref_slice %arg4[%multiple_of3A] : memref<320000xi32, #tpu.memory_space<hbm>> -> memref<10000xi32, #tpu.memory_space<hbm>>
      %dma_wait3A_108 = tpu.memref_slice %arg4[%multiple_of3A] : memref<320000xi32, #tpu.memory_space<hbm>> -> memref<10000xi32, #tpu.memory_space<hbm>>
      tpu.wait_dma2 semaphore(%run_scoped3A : memref<!tpu.dma_semaphore, #tpu.memory_space<semaphore_mem>>) src(%dma_wait3A_108 : memref<10000xi32, #tpu.memory_space<hbm>>) dst(%arg7 : memref<10000xi32, #tpu.memory_space<vmem>>)
      tpu.yield
    }) : () -> ()
    "tpu.region"() ({
      %run_scoped3A = tpu.sem_alloc : memref<!tpu.dma_semaphore, #tpu.memory_space<semaphore_mem>>
      %dma_start3A_105 = tpu.memref_slice %arg5[%multiple_of3A] : memref<320000xi32, #tpu.memory_space<hbm>> -> memref<10000xi32, #tpu.memory_space<hbm>>
      %dma_start3A_106 = tpu.memref_slice %arg5[%multiple_of3A] : memref<320000xi32, #tpu.memory_space<hbm>> -> memref<10000xi32, #tpu.memory_space<hbm>>
      tpu.enqueue_dma source(%dma_start3A_106 : memref<10000xi32, #tpu.memory_space<hbm>>) target(%arg8 : memref<10000xi32, #tpu.memory_space<vmem>>) target_semaphore(%run_scoped3A : memref<!tpu.dma_semaphore, #tpu.memory_space<semaphore_mem>>)
      %dma_wait3A_107 = tpu.memref_slice %arg5[%multiple_of3A] : memref<320000xi32, #tpu.memory_space<hbm>> -> memref<10000xi32, #tpu.memory_space<hbm>>
      %dma_wait3A_108 = tpu.memref_slice %arg5[%multiple_of3A] : memref<320000xi32, #tpu.memory_space<hbm>> -> memref<10000xi32, #tpu.memory_space<hbm>>
      tpu.wait_dma2 semaphore(%run_scoped3A : memref<!tpu.dma_semaphore, #tpu.memory_space<semaphore_mem>>) src(%dma_wait3A_108 : memref<10000xi32, #tpu.memory_space<hbm>>) dst(%arg8 : memref<10000xi32, #tpu.memory_space<vmem>>)
      tpu.yield
    }) : () -> ()
    %multiple_of3A_6 = arith.constant 0 : i32
    %multiple_of3A_7 = tpu.assume_multiple %multiple_of3A_6, 8 : i32
    %multiple_of3A_8 = tpu.assume_multiple %multiple_of3A_7, 8 : i32
    %dma_start3A = arith.constant 0 : i32
    %dma_start3A_9 = arith.constant 0 : i32
    %dma_start3A_10 = tpu.memref_slice %arg9[%dma_start3A, %dma_start3A_9] : memref<80x64xi32, #tpu.memory_space<vmem>> -> memref<40x64xi32, #tpu.memory_space<vmem>>
    %dma_start3A_11 = tpu.memref_slice %arg7[%multiple_of3A_8] : memref<10000xi32, #tpu.memory_space<vmem>> -> memref<40xi32, #tpu.memory_space<vmem>>
    %dma_start3A_12 = arith.constant 0 : i32
    %dma_start3A_13 = arith.constant 0 : i32
    %dma_start3A_14 = tpu.memref_slice %arg2[%dma_start3A_12, %dma_start3A_13] : memref<10000x64xi32, #tpu.memory_space<hbm>> -> memref<10000x64xi32, #tpu.memory_space<hbm>>
    tpu.enqueue_indirect_dma source(%dma_start3A_14 : memref<10000x64xi32, #tpu.memory_space<hbm>>) target(%dma_start3A_10 : memref<40x64xi32, #tpu.memory_space<vmem>>) offsets(%dma_start3A_11 : memref<40xi32, #tpu.memory_space<vmem>>) semaphore(%arg15 : memref<!tpu.dma_semaphore, #tpu.memory_space<semaphore_mem>>)
    %dma_start3A_15 = arith.constant 0 : i32
    %dma_start3A_16 = arith.constant 0 : i32
    %dma_start3A_17 = tpu.memref_slice %arg10[%dma_start3A_15, %dma_start3A_16] : memref<80x64xi32, #tpu.memory_space<vmem>> -> memref<40x64xi32, #tpu.memory_space<vmem>>
    %dma_start3A_18 = tpu.memref_slice %arg8[%multiple_of3A_8] : memref<10000xi32, #tpu.memory_space<vmem>> -> memref<40xi32, #tpu.memory_space<vmem>>
    %dma_start3A_19 = arith.constant 0 : i32
    %dma_start3A_20 = arith.constant 0 : i32
    %dma_start3A_21 = tpu.memref_slice %arg3[%dma_start3A_19, %dma_start3A_20] : memref<10000x64xi32, #tpu.memory_space<hbm>> -> memref<10000x64xi32, #tpu.memory_space<hbm>>
    tpu.enqueue_indirect_dma source(%dma_start3A_21 : memref<10000x64xi32, #tpu.memory_space<hbm>>) target(%dma_start3A_17 : memref<40x64xi32, #tpu.memory_space<vmem>>) offsets(%dma_start3A_18 : memref<40xi32, #tpu.memory_space<vmem>>) semaphore(%arg15 : memref<!tpu.dma_semaphore, #tpu.memory_space<semaphore_mem>>)
    %add3A_22 = arith.constant 1000 : i32
    %add3A_23 = arith.addi %multiple_of3A_8, %add3A_22 : i32
    %multiple_of3A_24 = tpu.assume_multiple %add3A_23, 8 : i32
    %dma_start3A_25 = arith.constant 40 : i32
    %dma_start3A_26 = arith.constant 0 : i32
    %dma_start3A_27 = tpu.memref_slice %arg9[%dma_start3A_25, %dma_start3A_26] : memref<80x64xi32, #tpu.memory_space<vmem>> -> memref<40x64xi32, #tpu.memory_space<vmem>>
    %dma_start3A_28 = tpu.memref_slice %arg7[%multiple_of3A_24] : memref<10000xi32, #tpu.memory_space<vmem>> -> memref<40xi32, #tpu.memory_space<vmem>>
    %dma_start3A_29 = arith.constant 0 : i32
    %dma_start3A_30 = arith.constant 0 : i32
    %dma_start3A_31 = tpu.memref_slice %arg2[%dma_start3A_29, %dma_start3A_30] : memref<10000x64xi32, #tpu.memory_space<hbm>> -> memref<10000x64xi32, #tpu.memory_space<hbm>>
    tpu.enqueue_indirect_dma source(%dma_start3A_31 : memref<10000x64xi32, #tpu.memory_space<hbm>>) target(%dma_start3A_27 : memref<40x64xi32, #tpu.memory_space<vmem>>) offsets(%dma_start3A_28 : memref<40xi32, #tpu.memory_space<vmem>>) semaphore(%arg15 : memref<!tpu.dma_semaphore, #tpu.memory_space<semaphore_mem>>)
    %add3A_32 = arith.constant 1000 : i32
    %add3A_33 = arith.addi %multiple_of3A_8, %add3A_32 : i32
    %multiple_of3A_34 = tpu.assume_multiple %add3A_33, 8 : i32
    %dma_start3A_35 = arith.constant 40 : i32
    %dma_start3A_36 = arith.constant 0 : i32
    %dma_start3A_37 = tpu.memref_slice %arg10[%dma_start3A_35, %dma_start3A_36] : memref<80x64xi32, #tpu.memory_space<vmem>> -> memref<40x64xi32, #tpu.memory_space<vmem>>
    %dma_start3A_38 = tpu.memref_slice %arg8[%multiple_of3A_34] : memref<10000xi32, #tpu.memory_space<vmem>> -> memref<40xi32, #tpu.memory_space<vmem>>
    %dma_start3A_39 = arith.constant 0 : i32
    %dma_start3A_40 = arith.constant 0 : i32
    %dma_start3A_41 = tpu.memref_slice %arg3[%dma_start3A_39, %dma_start3A_40] : memref<10000x64xi32, #tpu.memory_space<hbm>> -> memref<10000x64xi32, #tpu.memory_space<hbm>>
    tpu.enqueue_indirect_dma source(%dma_start3A_41 : memref<10000x64xi32, #tpu.memory_space<hbm>>) target(%dma_start3A_37 : memref<40x64xi32, #tpu.memory_space<vmem>>) offsets(%dma_start3A_38 : memref<40xi32, #tpu.memory_space<vmem>>) semaphore(%arg15 : memref<!tpu.dma_semaphore, #tpu.memory_space<semaphore_mem>>)
    %scan3A = arith.constant 0 : i32
    %scan3A_42 = arith.constant 0 : i32
    %scan3A_43 = arith.constant 62 : i32
    %scan3A_44 = arith.addi %scan3A_42, %scan3A_43 : i32
    %scan3A_45 = arith.constant 1 : i32
    scf.for %scan3A_105 = %scan3A_42 to %scan3A_44 step %scan3A_45  : i32 {
      %mul3A_106 = arith.constant 2 : i32
      %mul3A_107 = arith.muli %mul3A_106, %scan3A_105 : i32
      %add3A_108 = arith.constant 1 : i32
      %add3A_109 = arith.addi %mul3A_107, %add3A_108 : i32
      %jit3A = arith.constant 25 : i32
      %div3A = arith.divsi %add3A_109, %jit3A : i32
      %sign3A = arith.constant 0 : i32
      %sign3A_110 = arith.cmpi sgt, %add3A_109, %sign3A : i32
      %sign3A_111 = arith.extui %sign3A_110 : i1 to i32
      %sign3A_112 = arith.constant 0 : i32
      %sign3A_113 = arith.cmpi slt, %add3A_109, %sign3A_112 : i32
      %sign3A_114 = arith.extui %sign3A_113 : i1 to i32
      %sign3A_115 = arith.subi %sign3A_111, %sign3A_114 : i32
      %sign3A_116 = arith.constant 0 : i32
      %sign3A_117 = arith.cmpi sgt, %jit3A, %sign3A_116 : i32
      %sign3A_118 = arith.extui %sign3A_117 : i1 to i32
      %sign3A_119 = arith.constant 0 : i32
      %sign3A_120 = arith.cmpi slt, %jit3A, %sign3A_119 : i32
      %sign3A_121 = arith.extui %sign3A_120 : i1 to i32
      %sign3A_122 = arith.subi %sign3A_118, %sign3A_121 : i32
      %ne3A = arith.cmpi ne, %sign3A_115, %sign3A_122 : i32
      %rem3A = arith.remsi %add3A_109, %jit3A : i32
      %ne3A_123 = arith.constant 0 : i32
      %ne3A_124 = arith.cmpi ne, %rem3A, %ne3A_123 : i32
      %and3A = arith.andi %ne3A, %ne3A_124 : i1
      %sub3A = arith.constant 1 : i32
      %sub3A_125 = arith.subi %div3A, %sub3A : i32
      %select_n3A = arith.select %and3A, %sub3A_125, %div3A : i32
      %jit3A_126 = arith.constant 25 : i32
      %eq3A = arith.constant 0 : i32
      %eq3A_127 = arith.cmpi eq, %jit3A_126, %eq3A : i32
      %jit3A_128 = arith.constant 1 : i32
      %select_n3A_129 = arith.select %eq3A_127, %jit3A_128, %jit3A_126 : i32
      %rem3A_130 = arith.remsi %add3A_109, %select_n3A_129 : i32
      %ne3A_131 = arith.constant 0 : i32
      %ne3A_132 = arith.cmpi ne, %rem3A_130, %ne3A_131 : i32
      %lt3A = arith.constant 0 : i32
      %lt3A_133 = arith.cmpi slt, %rem3A_130, %lt3A : i32
      %lt3A_134 = arith.constant 0 : i32
      %lt3A_135 = arith.cmpi slt, %select_n3A_129, %lt3A_134 : i32
      %ne3A_136 = arith.xori %lt3A_133, %lt3A_135 : i1
      %and3A_137 = arith.andi %ne3A_136, %ne3A_132 : i1
      %add3A_138 = arith.addi %rem3A_130, %select_n3A_129 : i32
      %select_n3A_139 = arith.select %and3A_137, %add3A_138, %rem3A_130 : i32
      %mul3A_140 = arith.constant 2000 : i32
      %mul3A_141 = arith.muli %select_n3A, %mul3A_140 : i32
      %mul3A_142 = arith.constant 40 : i32
      %mul3A_143 = arith.muli %select_n3A_139, %mul3A_142 : i32
      %add3A_144 = arith.addi %mul3A_141, %mul3A_143 : i32
      %multiple_of3A_145 = tpu.assume_multiple %add3A_144, 8 : i32
      %multiple_of3A_146 = tpu.assume_multiple %multiple_of3A_145, 8 : i32
      %dma_start3A_147 = arith.constant 0 : i32
      %dma_start3A_148 = arith.constant 0 : i32
      %dma_start3A_149 = tpu.memref_slice %arg11[%dma_start3A_147, %dma_start3A_148] : memref<80x64xi32, #tpu.memory_space<vmem>> -> memref<40x64xi32, #tpu.memory_space<vmem>>
      %dma_start3A_150 = tpu.memref_slice %arg7[%multiple_of3A_146] : memref<10000xi32, #tpu.memory_space<vmem>> -> memref<40xi32, #tpu.memory_space<vmem>>
      %dma_start3A_151 = arith.constant 0 : i32
      %dma_start3A_152 = arith.constant 0 : i32
      %dma_start3A_153 = tpu.memref_slice %arg2[%dma_start3A_151, %dma_start3A_152] : memref<10000x64xi32, #tpu.memory_space<hbm>> -> memref<10000x64xi32, #tpu.memory_space<hbm>>
      tpu.enqueue_indirect_dma source(%dma_start3A_153 : memref<10000x64xi32, #tpu.memory_space<hbm>>) target(%dma_start3A_149 : memref<40x64xi32, #tpu.memory_space<vmem>>) offsets(%dma_start3A_150 : memref<40xi32, #tpu.memory_space<vmem>>) semaphore(%arg16 : memref<!tpu.dma_semaphore, #tpu.memory_space<semaphore_mem>>)
      %dma_start3A_154 = arith.constant 0 : i32
      %dma_start3A_155 = arith.constant 0 : i32
      %dma_start3A_156 = tpu.memref_slice %arg12[%dma_start3A_154, %dma_start3A_155] : memref<80x64xi32, #tpu.memory_space<vmem>> -> memref<40x64xi32, #tpu.memory_space<vmem>>
      %dma_start3A_157 = tpu.memref_slice %arg8[%multiple_of3A_146] : memref<10000xi32, #tpu.memory_space<vmem>> -> memref<40xi32, #tpu.memory_space<vmem>>
      %dma_start3A_158 = arith.constant 0 : i32
      %dma_start3A_159 = arith.constant 0 : i32
      %dma_start3A_160 = tpu.memref_slice %arg3[%dma_start3A_158, %dma_start3A_159] : memref<10000x64xi32, #tpu.memory_space<hbm>> -> memref<10000x64xi32, #tpu.memory_space<hbm>>
      tpu.enqueue_indirect_dma source(%dma_start3A_160 : memref<10000x64xi32, #tpu.memory_space<hbm>>) target(%dma_start3A_156 : memref<40x64xi32, #tpu.memory_space<vmem>>) offsets(%dma_start3A_157 : memref<40xi32, #tpu.memory_space<vmem>>) semaphore(%arg16 : memref<!tpu.dma_semaphore, #tpu.memory_space<semaphore_mem>>)
      %add3A_161 = arith.constant 1000 : i32
      %add3A_162 = arith.addi %multiple_of3A_146, %add3A_161 : i32
      %multiple_of3A_163 = tpu.assume_multiple %add3A_162, 8 : i32
      %dma_start3A_164 = arith.constant 40 : i32
      %dma_start3A_165 = arith.constant 0 : i32
      %dma_start3A_166 = tpu.memref_slice %arg11[%dma_start3A_164, %dma_start3A_165] : memref<80x64xi32, #tpu.memory_space<vmem>> -> memref<40x64xi32, #tpu.memory_space<vmem>>
      %dma_start3A_167 = tpu.memref_slice %arg7[%multiple_of3A_163] : memref<10000xi32, #tpu.memory_space<vmem>> -> memref<40xi32, #tpu.memory_space<vmem>>
      %dma_start3A_168 = arith.constant 0 : i32
      %dma_start3A_169 = arith.constant 0 : i32
      %dma_start3A_170 = tpu.memref_slice %arg2[%dma_start3A_168, %dma_start3A_169] : memref<10000x64xi32, #tpu.memory_space<hbm>> -> memref<10000x64xi32, #tpu.memory_space<hbm>>
      tpu.enqueue_indirect_dma source(%dma_start3A_170 : memref<10000x64xi32, #tpu.memory_space<hbm>>) target(%dma_start3A_166 : memref<40x64xi32, #tpu.memory_space<vmem>>) offsets(%dma_start3A_167 : memref<40xi32, #tpu.memory_space<vmem>>) semaphore(%arg16 : memref<!tpu.dma_semaphore, #tpu.memory_space<semaphore_mem>>)
      %add3A_171 = arith.constant 1000 : i32
      %add3A_172 = arith.addi %multiple_of3A_146, %add3A_171 : i32
      %multiple_of3A_173 = tpu.assume_multiple %add3A_172, 8 : i32
      %dma_start3A_174 = arith.constant 40 : i32
      %dma_start3A_175 = arith.constant 0 : i32
      %dma_start3A_176 = tpu.memref_slice %arg12[%dma_start3A_174, %dma_start3A_175] : memref<80x64xi32, #tpu.memory_space<vmem>> -> memref<40x64xi32, #tpu.memory_space<vmem>>
      %dma_start3A_177 = tpu.memref_slice %arg8[%multiple_of3A_173] : memref<10000xi32, #tpu.memory_space<vmem>> -> memref<40xi32, #tpu.memory_space<vmem>>
      %dma_start3A_178 = arith.constant 0 : i32
      %dma_start3A_179 = arith.constant 0 : i32
      %dma_start3A_180 = tpu.memref_slice %arg3[%dma_start3A_178, %dma_start3A_179] : memref<10000x64xi32, #tpu.memory_space<hbm>> -> memref<10000x64xi32, #tpu.memory_space<hbm>>
      tpu.enqueue_indirect_dma source(%dma_start3A_180 : memref<10000x64xi32, #tpu.memory_space<hbm>>) target(%dma_start3A_176 : memref<40x64xi32, #tpu.memory_space<vmem>>) offsets(%dma_start3A_177 : memref<40xi32, #tpu.memory_space<vmem>>) semaphore(%arg16 : memref<!tpu.dma_semaphore, #tpu.memory_space<semaphore_mem>>)
      %dma_wait3A_181 = arith.constant 0 : i32
      %dma_wait3A_182 = arith.constant 0 : i32
      %dma_wait3A_183 = tpu.memref_slice %arg9[%dma_wait3A_181, %dma_wait3A_182] : memref<80x64xi32, #tpu.memory_space<vmem>> -> memref<40x64xi32, #tpu.memory_space<vmem>>
      %dma_wait3A_184 = arith.constant 0 : i32
      %dma_wait3A_185 = tpu.memref_slice %arg7[%dma_wait3A_184] : memref<10000xi32, #tpu.memory_space<vmem>> -> memref<40xi32, #tpu.memory_space<vmem>>
      %dma_wait3A_186 = arith.constant 0 : i32
      %dma_wait3A_187 = arith.constant 0 : i32
      %dma_wait3A_188 = tpu.memref_slice %arg2[%dma_wait3A_186, %dma_wait3A_187] : memref<10000x64xi32, #tpu.memory_space<hbm>> -> memref<10000x64xi32, #tpu.memory_space<hbm>>
      tpu.wait_indirect_dma semaphore(%arg15 : memref<!tpu.dma_semaphore, #tpu.memory_space<semaphore_mem>>) src(%dma_wait3A_188 : memref<10000x64xi32, #tpu.memory_space<hbm>>) dst(%dma_wait3A_183 : memref<40x64xi32, #tpu.memory_space<vmem>>)
      %dma_wait3A_189 = arith.constant 0 : i32
      %dma_wait3A_190 = arith.constant 0 : i32
      %dma_wait3A_191 = tpu.memref_slice %arg10[%dma_wait3A_189, %dma_wait3A_190] : memref<80x64xi32, #tpu.memory_space<vmem>> -> memref<40x64xi32, #tpu.memory_space<vmem>>
      %dma_wait3A_192 = arith.constant 0 : i32
      %dma_wait3A_193 = tpu.memref_slice %arg8[%dma_wait3A_192] : memref<10000xi32, #tpu.memory_space<vmem>> -> memref<40xi32, #tpu.memory_space<vmem>>
      %dma_wait3A_194 = arith.constant 0 : i32
      %dma_wait3A_195 = arith.constant 0 : i32
      %dma_wait3A_196 = tpu.memref_slice %arg3[%dma_wait3A_194, %dma_wait3A_195] : memref<10000x64xi32, #tpu.memory_space<hbm>> -> memref<10000x64xi32, #tpu.memory_space<hbm>>
      tpu.wait_indirect_dma semaphore(%arg15 : memref<!tpu.dma_semaphore, #tpu.memory_space<semaphore_mem>>) src(%dma_wait3A_196 : memref<10000x64xi32, #tpu.memory_space<hbm>>) dst(%dma_wait3A_191 : memref<40x64xi32, #tpu.memory_space<vmem>>)
      %dma_wait3A_197 = arith.constant 40 : i32
      %dma_wait3A_198 = arith.constant 0 : i32
      %dma_wait3A_199 = tpu.memref_slice %arg9[%dma_wait3A_197, %dma_wait3A_198] : memref<80x64xi32, #tpu.memory_space<vmem>> -> memref<40x64xi32, #tpu.memory_space<vmem>>
      %dma_wait3A_200 = arith.constant 0 : i32
      %dma_wait3A_201 = tpu.memref_slice %arg7[%dma_wait3A_200] : memref<10000xi32, #tpu.memory_space<vmem>> -> memref<40xi32, #tpu.memory_space<vmem>>
      %dma_wait3A_202 = arith.constant 0 : i32
      %dma_wait3A_203 = arith.constant 0 : i32
      %dma_wait3A_204 = tpu.memref_slice %arg2[%dma_wait3A_202, %dma_wait3A_203] : memref<10000x64xi32, #tpu.memory_space<hbm>> -> memref<10000x64xi32, #tpu.memory_space<hbm>>
      tpu.wait_indirect_dma semaphore(%arg15 : memref<!tpu.dma_semaphore, #tpu.memory_space<semaphore_mem>>) src(%dma_wait3A_204 : memref<10000x64xi32, #tpu.memory_space<hbm>>) dst(%dma_wait3A_199 : memref<40x64xi32, #tpu.memory_space<vmem>>)
      %dma_wait3A_205 = arith.constant 40 : i32
      %dma_wait3A_206 = arith.constant 0 : i32
      %dma_wait3A_207 = tpu.memref_slice %arg10[%dma_wait3A_205, %dma_wait3A_206] : memref<80x64xi32, #tpu.memory_space<vmem>> -> memref<40x64xi32, #tpu.memory_space<vmem>>
      %dma_wait3A_208 = arith.constant 0 : i32
      %dma_wait3A_209 = tpu.memref_slice %arg8[%dma_wait3A_208] : memref<10000xi32, #tpu.memory_space<vmem>> -> memref<40xi32, #tpu.memory_space<vmem>>
      %dma_wait3A_210 = arith.constant 0 : i32
      %dma_wait3A_211 = arith.constant 0 : i32
      %dma_wait3A_212 = tpu.memref_slice %arg3[%dma_wait3A_210, %dma_wait3A_211] : memref<10000x64xi32, #tpu.memory_space<hbm>> -> memref<10000x64xi32, #tpu.memory_space<hbm>>
      tpu.wait_indirect_dma semaphore(%arg15 : memref<!tpu.dma_semaphore, #tpu.memory_space<semaphore_mem>>) src(%dma_wait3A_212 : memref<10000x64xi32, #tpu.memory_space<hbm>>) dst(%dma_wait3A_207 : memref<40x64xi32, #tpu.memory_space<vmem>>)
      %gt3A = arith.constant 0 : i32
      %gt3A_213 = arith.cmpi sgt, %scan3A_105, %gt3A : i32
      %convert_element_type3A = arith.extui %gt3A_213 : i1 to i32
      %cond3A = arith.constant 0 : i32
      %cond3A_214 = arith.cmpi ne, %convert_element_type3A, %cond3A : i32
      scf.if %cond3A_214 {
        %dma_wait3A_451 = arith.constant 0 : i32
        %dma_wait3A_452 = tpu.memref_slice %arg6[%multiple_of3A_5, %dma_wait3A_451] : memref<160000x128xi32, #tpu.memory_space<hbm>> -> memref<40x128xi32, #tpu.memory_space<hbm>>
        %dma_wait3A_453 = arith.constant 0 : i32
        %dma_wait3A_454 = tpu.memref_slice %arg6[%multiple_of3A_5, %dma_wait3A_453] : memref<160000x128xi32, #tpu.memory_space<hbm>> -> memref<40x128xi32, #tpu.memory_space<hbm>>
        tpu.wait_dma2 semaphore(%arg17 : memref<!tpu.dma_semaphore, #tpu.memory_space<semaphore_mem>>) src(%arg13 : memref<40x128xi32, #tpu.memory_space<vmem>>) dst(%dma_wait3A_454 : memref<40x128xi32, #tpu.memory_space<hbm>>)
      } else {
      }
      %scan3A_215 = arith.constant 0 : i32
      %scan3A_216 = arith.constant 0 : i32
      %scan3A_217 = arith.constant 40 : i32
      %scan3A_218 = arith.addi %scan3A_216, %scan3A_217 : i32
      %scan3A_219 = arith.constant 1 : i32
      scf.for %scan3A_451 = %scan3A_216 to %scan3A_218 step %scan3A_219  : i32 {
        %get3A = arith.index_cast %scan3A_451 : i32 to index
        %get3A_452 = arith.constant 0 : index
        %get3A_453 = tpu.vector_load %arg9[%get3A, %get3A_452] {strides = array<i32>} : memref<80x64xi32, #tpu.memory_space<vmem>>, vector<16xi32>,
        %get3A_454 = arith.index_cast %scan3A_451 : i32 to index
        %get3A_455 = arith.constant 0 : index
        %get3A_456 = tpu.vector_load %arg10[%get3A_454, %get3A_455] {strides = array<i32>} : memref<80x64xi32, #tpu.memory_space<vmem>>, vector<16xi32>,
        %bitcast3A = vector.bitcast %get3A_453 : vector<16xi32> to vector<32xbf16>
        %bitcast3A_457 = vector.bitcast %get3A_456 : vector<16xi32> to vector<32xbf16>
        %add3A_458 = arith.addf %bitcast3A, %bitcast3A_457 : vector<32xbf16>
        %bitcast3A_459 = vector.bitcast %add3A_458 : vector<32xbf16> to vector<16xi32>
        %add3A_460 = arith.constant 40 : i32
        %add3A_461 = arith.addi %scan3A_451, %add3A_460 : i32
        %get3A_462 = arith.index_cast %add3A_461 : i32 to index
        %get3A_463 = arith.constant 0 : index
        %get3A_464 = tpu.vector_load %arg9[%get3A_462, %get3A_463] {strides = array<i32>} : memref<80x64xi32, #tpu.memory_space<vmem>>, vector<16xi32>,
        %add3A_465 = arith.constant 40 : i32
        %add3A_466 = arith.addi %scan3A_451, %add3A_465 : i32
        %get3A_467 = arith.index_cast %add3A_466 : i32 to index
        %get3A_468 = arith.constant 0 : index
        %get3A_469 = tpu.vector_load %arg10[%get3A_467, %get3A_468] {strides = array<i32>} : memref<80x64xi32, #tpu.memory_space<vmem>>, vector<16xi32>,
        %bitcast3A_470 = vector.bitcast %get3A_464 : vector<16xi32> to vector<32xbf16>
        %bitcast3A_471 = vector.bitcast %get3A_469 : vector<16xi32> to vector<32xbf16>
        %add3A_472 = arith.addf %bitcast3A_470, %bitcast3A_471 : vector<32xbf16>
        %bitcast3A_473 = vector.bitcast %add3A_472 : vector<32xbf16> to vector<16xi32>
        %and3A_474 = arith.constant 65535 : i32
        %and3A_475 = vector.broadcast %and3A_474 : i32 to vector<16xi32>
        %and3A_476 = arith.andi %bitcast3A_459, %and3A_475 : vector<16xi32>
        %shift_left3A = arith.constant 16 : i32
        %shift_left3A_477 = vector.broadcast %shift_left3A : i32 to vector<16xi32>
        %shift_left3A_478 = arith.shli %bitcast3A_473, %shift_left3A_477 : vector<16xi32>
        %or3A = arith.ori %and3A_476, %shift_left3A_478 : vector<16xi32>
        %swap3A = arith.index_cast %scan3A_451 : i32 to index
        %swap3A_479 = arith.constant 0 : index
        %swap3A_480 = tpu.vector_load %arg13[%swap3A, %swap3A_479] {strides = array<i32>} : memref<40x128xi32, #tpu.memory_space<vmem>>, vector<16xi32>,
        tpu.vector_store %arg13[%swap3A, %swap3A_479], %or3A {strides = array<i32>} : memref<40x128xi32, #tpu.memory_space<vmem>>, vector<16xi32>,
        %shift_right_logical3A = arith.constant 16 : i32
        %shift_right_logical3A_481 = vector.broadcast %shift_right_logical3A : i32 to vector<16xi32>
        %shift_right_logical3A_482 = arith.shrui %bitcast3A_459, %shift_right_logical3A_481 : vector<16xi32>
        %and3A_483 = arith.constant -65536 : i32
        %and3A_484 = vector.broadcast %and3A_483 : i32 to vector<16xi32>
        %and3A_485 = arith.andi %bitcast3A_473, %and3A_484 : vector<16xi32>
        %or3A_486 = arith.ori %shift_right_logical3A_482, %and3A_485 : vector<16xi32>
        %swap3A_487 = arith.index_cast %scan3A_451 : i32 to index
        %swap3A_488 = arith.constant 64 : index
        %swap3A_489 = tpu.vector_load %arg13[%swap3A_487, %swap3A_488] {strides = array<i32>} : memref<40x128xi32, #tpu.memory_space<vmem>>, vector<16xi32>,
        tpu.vector_store %arg13[%swap3A_487, %swap3A_488], %or3A_486 {strides = array<i32>} : memref<40x128xi32, #tpu.memory_space<vmem>>, vector<16xi32>,
        %get3A_490 = arith.index_cast %scan3A_451 : i32 to index
        %get3A_491 = arith.constant 16 : index
        %get3A_492 = tpu.vector_load %arg9[%get3A_490, %get3A_491] {strides = array<i32>} : memref<80x64xi32, #tpu.memory_space<vmem>>, vector<16xi32>,
        %get3A_493 = arith.index_cast %scan3A_451 : i32 to index
        %get3A_494 = arith.constant 16 : index
        %get3A_495 = tpu.vector_load %arg10[%get3A_493, %get3A_494] {strides = array<i32>} : memref<80x64xi32, #tpu.memory_space<vmem>>, vector<16xi32>,
        %bitcast3A_496 = vector.bitcast %get3A_492 : vector<16xi32> to vector<32xbf16>
        %bitcast3A_497 = vector.bitcast %get3A_495 : vector<16xi32> to vector<32xbf16>
        %add3A_498 = arith.addf %bitcast3A_496, %bitcast3A_497 : vector<32xbf16>
        %bitcast3A_499 = vector.bitcast %add3A_498 : vector<32xbf16> to vector<16xi32>
        %add3A_500 = arith.constant 40 : i32
        %add3A_501 = arith.addi %scan3A_451, %add3A_500 : i32
        %get3A_502 = arith.index_cast %add3A_501 : i32 to index
        %get3A_503 = arith.constant 16 : index
        %get3A_504 = tpu.vector_load %arg9[%get3A_502, %get3A_503] {strides = array<i32>} : memref<80x64xi32, #tpu.memory_space<vmem>>, vector<16xi32>,
        %add3A_505 = arith.constant 40 : i32
        %add3A_506 = arith.addi %scan3A_451, %add3A_505 : i32
        %get3A_507 = arith.index_cast %add3A_506 : i32 to index
        %get3A_508 = arith.constant 16 : index
        %get3A_509 = tpu.vector_load %arg10[%get3A_507, %get3A_508] {strides = array<i32>} : memref<80x64xi32, #tpu.memory_space<vmem>>, vector<16xi32>,
        %bitcast3A_510 = vector.bitcast %get3A_504 : vector<16xi32> to vector<32xbf16>
        %bitcast3A_511 = vector.bitcast %get3A_509 : vector<16xi32> to vector<32xbf16>
        %add3A_512 = arith.addf %bitcast3A_510, %bitcast3A_511 : vector<32xbf16>
        %bitcast3A_513 = vector.bitcast %add3A_512 : vector<32xbf16> to vector<16xi32>
        %and3A_514 = arith.constant 65535 : i32
        %and3A_515 = vector.broadcast %and3A_514 : i32 to vector<16xi32>
        %and3A_516 = arith.andi %bitcast3A_499, %and3A_515 : vector<16xi32>
        %shift_left3A_517 = arith.constant 16 : i32
        %shift_left3A_518 = vector.broadcast %shift_left3A_517 : i32 to vector<16xi32>
        %shift_left3A_519 = arith.shli %bitcast3A_513, %shift_left3A_518 : vector<16xi32>
        %or3A_520 = arith.ori %and3A_516, %shift_left3A_519 : vector<16xi32>
        %swap3A_521 = arith.index_cast %scan3A_451 : i32 to index
        %swap3A_522 = arith.constant 16 : index
        %swap3A_523 = tpu.vector_load %arg13[%swap3A_521, %swap3A_522] {strides = array<i32>} : memref<40x128xi32, #tpu.memory_space<vmem>>, vector<16xi32>,
        tpu.vector_store %arg13[%swap3A_521, %swap3A_522], %or3A_520 {strides = array<i32>} : memref<40x128xi32, #tpu.memory_space<vmem>>, vector<16xi32>,
        %shift_right_logical3A_524 = arith.constant 16 : i32
        %shift_right_logical3A_525 = vector.broadcast %shift_right_logical3A_524 : i32 to vector<16xi32>
        %shift_right_logical3A_526 = arith.shrui %bitcast3A_499, %shift_right_logical3A_525 : vector<16xi32>
        %and3A_527 = arith.constant -65536 : i32
        %and3A_528 = vector.broadcast %and3A_527 : i32 to vector<16xi32>
        %and3A_529 = arith.andi %bitcast3A_513, %and3A_528 : vector<16xi32>
        %or3A_530 = arith.ori %shift_right_logical3A_526, %and3A_529 : vector<16xi32>
        %swap3A_531 = arith.index_cast %scan3A_451 : i32 to index
        %swap3A_532 = arith.constant 80 : index
        %swap3A_533 = tpu.vector_load %arg13[%swap3A_531, %swap3A_532] {strides = array<i32>} : memref<40x128xi32, #tpu.memory_space<vmem>>, vector<16xi32>,
        tpu.vector_store %arg13[%swap3A_531, %swap3A_532], %or3A_530 {strides = array<i32>} : memref<40x128xi32, #tpu.memory_space<vmem>>, vector<16xi32>,
        %get3A_534 = arith.index_cast %scan3A_451 : i32 to index
        %get3A_535 = arith.constant 32 : index
        %get3A_536 = tpu.vector_load %arg9[%get3A_534, %get3A_535] {strides = array<i32>} : memref<80x64xi32, #tpu.memory_space<vmem>>, vector<16xi32>,
        %get3A_537 = arith.index_cast %scan3A_451 : i32 to index
        %get3A_538 = arith.constant 32 : index
        %get3A_539 = tpu.vector_load %arg10[%get3A_537, %get3A_538] {strides = array<i32>} : memref<80x64xi32, #tpu.memory_space<vmem>>, vector<16xi32>,
        %bitcast3A_540 = vector.bitcast %get3A_536 : vector<16xi32> to vector<32xbf16>
        %bitcast3A_541 = vector.bitcast %get3A_539 : vector<16xi32> to vector<32xbf16>
        %add3A_542 = arith.addf %bitcast3A_540, %bitcast3A_541 : vector<32xbf16>
        %bitcast3A_543 = vector.bitcast %add3A_542 : vector<32xbf16> to vector<16xi32>
        %add3A_544 = arith.constant 40 : i32
        %add3A_545 = arith.addi %scan3A_451, %add3A_544 : i32
        %get3A_546 = arith.index_cast %add3A_545 : i32 to index
        %get3A_547 = arith.constant 32 : index
        %get3A_548 = tpu.vector_load %arg9[%get3A_546, %get3A_547] {strides = array<i32>} : memref<80x64xi32, #tpu.memory_space<vmem>>, vector<16xi32>,
        %add3A_549 = arith.constant 40 : i32
        %add3A_550 = arith.addi %scan3A_451, %add3A_549 : i32
        %get3A_551 = arith.index_cast %add3A_550 : i32 to index
        %get3A_552 = arith.constant 32 : index
        %get3A_553 = tpu.vector_load %arg10[%get3A_551, %get3A_552] {strides = array<i32>} : memref<80x64xi32, #tpu.memory_space<vmem>>, vector<16xi32>,
        %bitcast3A_554 = vector.bitcast %get3A_548 : vector<16xi32> to vector<32xbf16>
        %bitcast3A_555 = vector.bitcast %get3A_553 : vector<16xi32> to vector<32xbf16>
        %add3A_556 = arith.addf %bitcast3A_554, %bitcast3A_555 : vector<32xbf16>
        %bitcast3A_557 = vector.bitcast %add3A_556 : vector<32xbf16> to vector<16xi32>
        %and3A_558 = arith.constant 65535 : i32
        %and3A_559 = vector.broadcast %and3A_558 : i32 to vector<16xi32>
        %and3A_560 = arith.andi %bitcast3A_543, %and3A_559 : vector<16xi32>
        %shift_left3A_561 = arith.constant 16 : i32
        %shift_left3A_562 = vector.broadcast %shift_left3A_561 : i32 to vector<16xi32>
        %shift_left3A_563 = arith.shli %bitcast3A_557, %shift_left3A_562 : vector<16xi32>
        %or3A_564 = arith.ori %and3A_560, %shift_left3A_563 : vector<16xi32>
        %swap3A_565 = arith.index_cast %scan3A_451 : i32 to index
        %swap3A_566 = arith.constant 32 : index
        %swap3A_567 = tpu.vector_load %arg13[%swap3A_565, %swap3A_566] {strides = array<i32>} : memref<40x128xi32, #tpu.memory_space<vmem>>, vector<16xi32>,
        tpu.vector_store %arg13[%swap3A_565, %swap3A_566], %or3A_564 {strides = array<i32>} : memref<40x128xi32, #tpu.memory_space<vmem>>, vector<16xi32>,
        %shift_right_logical3A_568 = arith.constant 16 : i32
        %shift_right_logical3A_569 = vector.broadcast %shift_right_logical3A_568 : i32 to vector<16xi32>
        %shift_right_logical3A_570 = arith.shrui %bitcast3A_543, %shift_right_logical3A_569 : vector<16xi32>
        %and3A_571 = arith.constant -65536 : i32
        %and3A_572 = vector.broadcast %and3A_571 : i32 to vector<16xi32>
        %and3A_573 = arith.andi %bitcast3A_557, %and3A_572 : vector<16xi32>
        %or3A_574 = arith.ori %shift_right_logical3A_570, %and3A_573 : vector<16xi32>
        %swap3A_575 = arith.index_cast %scan3A_451 : i32 to index
        %swap3A_576 = arith.constant 96 : index
        %swap3A_577 = tpu.vector_load %arg13[%swap3A_575, %swap3A_576] {strides = array<i32>} : memref<40x128xi32, #tpu.memory_space<vmem>>, vector<16xi32>,
        tpu.vector_store %arg13[%swap3A_575, %swap3A_576], %or3A_574 {strides = array<i32>} : memref<40x128xi32, #tpu.memory_space<vmem>>, vector<16xi32>,
        %get3A_578 = arith.index_cast %scan3A_451 : i32 to index
        %get3A_579 = arith.constant 48 : index
        %get3A_580 = tpu.vector_load %arg9[%get3A_578, %get3A_579] {strides = array<i32>} : memref<80x64xi32, #tpu.memory_space<vmem>>, vector<16xi32>,
        %get3A_581 = arith.index_cast %scan3A_451 : i32 to index
        %get3A_582 = arith.constant 48 : index
        %get3A_583 = tpu.vector_load %arg10[%get3A_581, %get3A_582] {strides = array<i32>} : memref<80x64xi32, #tpu.memory_space<vmem>>, vector<16xi32>,
        %bitcast3A_584 = vector.bitcast %get3A_580 : vector<16xi32> to vector<32xbf16>
        %bitcast3A_585 = vector.bitcast %get3A_583 : vector<16xi32> to vector<32xbf16>
        %add3A_586 = arith.addf %bitcast3A_584, %bitcast3A_585 : vector<32xbf16>
        %bitcast3A_587 = vector.bitcast %add3A_586 : vector<32xbf16> to vector<16xi32>
        %add3A_588 = arith.constant 40 : i32
        %add3A_589 = arith.addi %scan3A_451, %add3A_588 : i32
        %get3A_590 = arith.index_cast %add3A_589 : i32 to index
        %get3A_591 = arith.constant 48 : index
        %get3A_592 = tpu.vector_load %arg9[%get3A_590, %get3A_591] {strides = array<i32>} : memref<80x64xi32, #tpu.memory_space<vmem>>, vector<16xi32>,
        %add3A_593 = arith.constant 40 : i32
        %add3A_594 = arith.addi %scan3A_451, %add3A_593 : i32
        %get3A_595 = arith.index_cast %add3A_594 : i32 to index
        %get3A_596 = arith.constant 48 : index
        %get3A_597 = tpu.vector_load %arg10[%get3A_595, %get3A_596] {strides = array<i32>} : memref<80x64xi32, #tpu.memory_space<vmem>>, vector<16xi32>,
        %bitcast3A_598 = vector.bitcast %get3A_592 : vector<16xi32> to vector<32xbf16>
        %bitcast3A_599 = vector.bitcast %get3A_597 : vector<16xi32> to vector<32xbf16>
        %add3A_600 = arith.addf %bitcast3A_598, %bitcast3A_599 : vector<32xbf16>
        %bitcast3A_601 = vector.bitcast %add3A_600 : vector<32xbf16> to vector<16xi32>
        %and3A_602 = arith.constant 65535 : i32
        %and3A_603 = vector.broadcast %and3A_602 : i32 to vector<16xi32>
        %and3A_604 = arith.andi %bitcast3A_587, %and3A_603 : vector<16xi32>
        %shift_left3A_605 = arith.constant 16 : i32
        %shift_left3A_606 = vector.broadcast %shift_left3A_605 : i32 to vector<16xi32>
        %shift_left3A_607 = arith.shli %bitcast3A_601, %shift_left3A_606 : vector<16xi32>
        %or3A_608 = arith.ori %and3A_604, %shift_left3A_607 : vector<16xi32>
        %swap3A_609 = arith.index_cast %scan3A_451 : i32 to index
        %swap3A_610 = arith.constant 48 : index
        %swap3A_611 = tpu.vector_load %arg13[%swap3A_609, %swap3A_610] {strides = array<i32>} : memref<40x128xi32, #tpu.memory_space<vmem>>, vector<16xi32>,
        tpu.vector_store %arg13[%swap3A_609, %swap3A_610], %or3A_608 {strides = array<i32>} : memref<40x128xi32, #tpu.memory_space<vmem>>, vector<16xi32>,
        %shift_right_logical3A_612 = arith.constant 16 : i32
        %shift_right_logical3A_613 = vector.broadcast %shift_right_logical3A_612 : i32 to vector<16xi32>
        %shift_right_logical3A_614 = arith.shrui %bitcast3A_587, %shift_right_logical3A_613 : vector<16xi32>
        %and3A_615 = arith.constant -65536 : i32
        %and3A_616 = vector.broadcast %and3A_615 : i32 to vector<16xi32>
        %and3A_617 = arith.andi %bitcast3A_601, %and3A_616 : vector<16xi32>
        %or3A_618 = arith.ori %shift_right_logical3A_614, %and3A_617 : vector<16xi32>
        %swap3A_619 = arith.index_cast %scan3A_451 : i32 to index
        %swap3A_620 = arith.constant 112 : index
        %swap3A_621 = tpu.vector_load %arg13[%swap3A_619, %swap3A_620] {strides = array<i32>} : memref<40x128xi32, #tpu.memory_space<vmem>>, vector<16xi32>,
        tpu.vector_store %arg13[%swap3A_619, %swap3A_620], %or3A_618 {strides = array<i32>} : memref<40x128xi32, #tpu.memory_space<vmem>>, vector<16xi32>,
      }
      %scan3A_220 = arith.constant 40 : i32
      %jit3A_221 = arith.constant 25 : i32
      %div3A_222 = arith.divsi %mul3A_107, %jit3A_221 : i32
      %sign3A_223 = arith.constant 0 : i32
      %sign3A_224 = arith.cmpi sgt, %mul3A_107, %sign3A_223 : i32
      %sign3A_225 = arith.extui %sign3A_224 : i1 to i32
      %sign3A_226 = arith.constant 0 : i32
      %sign3A_227 = arith.cmpi slt, %mul3A_107, %sign3A_226 : i32
      %sign3A_228 = arith.extui %sign3A_227 : i1 to i32
      %sign3A_229 = arith.subi %sign3A_225, %sign3A_228 : i32
      %sign3A_230 = arith.constant 0 : i32
      %sign3A_231 = arith.cmpi sgt, %jit3A_221, %sign3A_230 : i32
      %sign3A_232 = arith.extui %sign3A_231 : i1 to i32
      %sign3A_233 = arith.constant 0 : i32
      %sign3A_234 = arith.cmpi slt, %jit3A_221, %sign3A_233 : i32
      %sign3A_235 = arith.extui %sign3A_234 : i1 to i32
      %sign3A_236 = arith.subi %sign3A_232, %sign3A_235 : i32
      %ne3A_237 = arith.cmpi ne, %sign3A_229, %sign3A_236 : i32
      %rem3A_238 = arith.remsi %mul3A_107, %jit3A_221 : i32
      %ne3A_239 = arith.constant 0 : i32
      %ne3A_240 = arith.cmpi ne, %rem3A_238, %ne3A_239 : i32
      %and3A_241 = arith.andi %ne3A_237, %ne3A_240 : i1
      %sub3A_242 = arith.constant 1 : i32
      %sub3A_243 = arith.subi %div3A_222, %sub3A_242 : i32
      %select_n3A_244 = arith.select %and3A_241, %sub3A_243, %div3A_222 : i32
      %jit3A_245 = arith.constant 25 : i32
      %eq3A_246 = arith.constant 0 : i32
      %eq3A_247 = arith.cmpi eq, %jit3A_245, %eq3A_246 : i32
      %jit3A_248 = arith.constant 1 : i32
      %select_n3A_249 = arith.select %eq3A_247, %jit3A_248, %jit3A_245 : i32
      %rem3A_250 = arith.remsi %mul3A_107, %select_n3A_249 : i32
      %ne3A_251 = arith.constant 0 : i32
      %ne3A_252 = arith.cmpi ne, %rem3A_250, %ne3A_251 : i32
      %lt3A_253 = arith.constant 0 : i32
      %lt3A_254 = arith.cmpi slt, %rem3A_250, %lt3A_253 : i32
      %lt3A_255 = arith.constant 0 : i32
      %lt3A_256 = arith.cmpi slt, %select_n3A_249, %lt3A_255 : i32
      %ne3A_257 = arith.xori %lt3A_254, %lt3A_256 : i1
      %and3A_258 = arith.andi %ne3A_257, %ne3A_252 : i1
      %add3A_259 = arith.addi %rem3A_250, %select_n3A_249 : i32
      %select_n3A_260 = arith.select %and3A_258, %add3A_259, %rem3A_250 : i32
      %mul3A_261 = arith.constant 1000 : i32
      %mul3A_262 = arith.muli %select_n3A_244, %mul3A_261 : i32
      %add3A_263 = arith.addi %multiple_of3A_5, %mul3A_262 : i32
      %mul3A_264 = arith.constant 40 : i32
      %mul3A_265 = arith.muli %select_n3A_260, %mul3A_264 : i32
      %add3A_266 = arith.addi %add3A_263, %mul3A_265 : i32
      %multiple_of3A_267 = tpu.assume_multiple %add3A_266, 8 : i32
      %dma_start3A_268 = arith.constant 0 : i32
      %dma_start3A_269 = tpu.memref_slice %arg6[%multiple_of3A_267, %dma_start3A_268] : memref<160000x128xi32, #tpu.memory_space<hbm>> -> memref<40x128xi32, #tpu.memory_space<hbm>>
      %dma_start3A_270 = arith.constant 0 : i32
      %dma_start3A_271 = tpu.memref_slice %arg6[%multiple_of3A_267, %dma_start3A_270] : memref<160000x128xi32, #tpu.memory_space<hbm>> -> memref<40x128xi32, #tpu.memory_space<hbm>>
      tpu.enqueue_dma source(%arg13 : memref<40x128xi32, #tpu.memory_space<vmem>>) target(%dma_start3A_271 : memref<40x128xi32, #tpu.memory_space<hbm>>) target_semaphore(%arg17 : memref<!tpu.dma_semaphore, #tpu.memory_space<semaphore_mem>>)
      %add3A_272 = arith.constant 2 : i32
      %add3A_273 = arith.addi %mul3A_107, %add3A_272 : i32
      %jit3A_274 = arith.constant 25 : i32
      %div3A_275 = arith.divsi %add3A_273, %jit3A_274 : i32
      %sign3A_276 = arith.constant 0 : i32
      %sign3A_277 = arith.cmpi sgt, %add3A_273, %sign3A_276 : i32
      %sign3A_278 = arith.extui %sign3A_277 : i1 to i32
      %sign3A_279 = arith.constant 0 : i32
      %sign3A_280 = arith.cmpi slt, %add3A_273, %sign3A_279 : i32
      %sign3A_281 = arith.extui %sign3A_280 : i1 to i32
      %sign3A_282 = arith.subi %sign3A_278, %sign3A_281 : i32
      %sign3A_283 = arith.constant 0 : i32
      %sign3A_284 = arith.cmpi sgt, %jit3A_274, %sign3A_283 : i32
      %sign3A_285 = arith.extui %sign3A_284 : i1 to i32
      %sign3A_286 = arith.constant 0 : i32
      %sign3A_287 = arith.cmpi slt, %jit3A_274, %sign3A_286 : i32
      %sign3A_288 = arith.extui %sign3A_287 : i1 to i32
      %sign3A_289 = arith.subi %sign3A_285, %sign3A_288 : i32
      %ne3A_290 = arith.cmpi ne, %sign3A_282, %sign3A_289 : i32
      %rem3A_291 = arith.remsi %add3A_273, %jit3A_274 : i32
      %ne3A_292 = arith.constant 0 : i32
      %ne3A_293 = arith.cmpi ne, %rem3A_291, %ne3A_292 : i32
      %and3A_294 = arith.andi %ne3A_290, %ne3A_293 : i1
      %sub3A_295 = arith.constant 1 : i32
      %sub3A_296 = arith.subi %div3A_275, %sub3A_295 : i32
      %select_n3A_297 = arith.select %and3A_294, %sub3A_296, %div3A_275 : i32
      %jit3A_298 = arith.constant 25 : i32
      %eq3A_299 = arith.constant 0 : i32
      %eq3A_300 = arith.cmpi eq, %jit3A_298, %eq3A_299 : i32
      %jit3A_301 = arith.constant 1 : i32
      %select_n3A_302 = arith.select %eq3A_300, %jit3A_301, %jit3A_298 : i32
      %rem3A_303 = arith.remsi %add3A_273, %select_n3A_302 : i32
      %ne3A_304 = arith.constant 0 : i32
      %ne3A_305 = arith.cmpi ne, %rem3A_303, %ne3A_304 : i32
      %lt3A_306 = arith.constant 0 : i32
      %lt3A_307 = arith.cmpi slt, %rem3A_303, %lt3A_306 : i32
      %lt3A_308 = arith.constant 0 : i32
      %lt3A_309 = arith.cmpi slt, %select_n3A_302, %lt3A_308 : i32
      %ne3A_310 = arith.xori %lt3A_307, %lt3A_309 : i1
      %and3A_311 = arith.andi %ne3A_310, %ne3A_305 : i1
      %add3A_312 = arith.addi %rem3A_303, %select_n3A_302 : i32
      %select_n3A_313 = arith.select %and3A_311, %add3A_312, %rem3A_303 : i32
      %mul3A_314 = arith.constant 2000 : i32
      %mul3A_315 = arith.muli %select_n3A_297, %mul3A_314 : i32
      %mul3A_316 = arith.constant 40 : i32
      %mul3A_317 = arith.muli %select_n3A_313, %mul3A_316 : i32
      %add3A_318 = arith.addi %mul3A_315, %mul3A_317 : i32
      %multiple_of3A_319 = tpu.assume_multiple %add3A_318, 8 : i32
      %multiple_of3A_320 = tpu.assume_multiple %multiple_of3A_319, 8 : i32
      %dma_start3A_321 = arith.constant 0 : i32
      %dma_start3A_322 = arith.constant 0 : i32
      %dma_start3A_323 = tpu.memref_slice %arg9[%dma_start3A_321, %dma_start3A_322] : memref<80x64xi32, #tpu.memory_space<vmem>> -> memref<40x64xi32, #tpu.memory_space<vmem>>
      %dma_start3A_324 = tpu.memref_slice %arg7[%multiple_of3A_320] : memref<10000xi32, #tpu.memory_space<vmem>> -> memref<40xi32, #tpu.memory_space<vmem>>
      %dma_start3A_325 = arith.constant 0 : i32
      %dma_start3A_326 = arith.constant 0 : i32
      %dma_start3A_327 = tpu.memref_slice %arg2[%dma_start3A_325, %dma_start3A_326] : memref<10000x64xi32, #tpu.memory_space<hbm>> -> memref<10000x64xi32, #tpu.memory_space<hbm>>
      tpu.enqueue_indirect_dma source(%dma_start3A_327 : memref<10000x64xi32, #tpu.memory_space<hbm>>) target(%dma_start3A_323 : memref<40x64xi32, #tpu.memory_space<vmem>>) offsets(%dma_start3A_324 : memref<40xi32, #tpu.memory_space<vmem>>) semaphore(%arg15 : memref<!tpu.dma_semaphore, #tpu.memory_space<semaphore_mem>>)
      %dma_start3A_328 = arith.constant 0 : i32
      %dma_start3A_329 = arith.constant 0 : i32
      %dma_start3A_330 = tpu.memref_slice %arg10[%dma_start3A_328, %dma_start3A_329] : memref<80x64xi32, #tpu.memory_space<vmem>> -> memref<40x64xi32, #tpu.memory_space<vmem>>
      %dma_start3A_331 = tpu.memref_slice %arg8[%multiple_of3A_320] : memref<10000xi32, #tpu.memory_space<vmem>> -> memref<40xi32, #tpu.memory_space<vmem>>
      %dma_start3A_332 = arith.constant 0 : i32
      %dma_start3A_333 = arith.constant 0 : i32
      %dma_start3A_334 = tpu.memref_slice %arg3[%dma_start3A_332, %dma_start3A_333] : memref<10000x64xi32, #tpu.memory_space<hbm>> -> memref<10000x64xi32, #tpu.memory_space<hbm>>
      tpu.enqueue_indirect_dma source(%dma_start3A_334 : memref<10000x64xi32, #tpu.memory_space<hbm>>) target(%dma_start3A_330 : memref<40x64xi32, #tpu.memory_space<vmem>>) offsets(%dma_start3A_331 : memref<40xi32, #tpu.memory_space<vmem>>) semaphore(%arg15 : memref<!tpu.dma_semaphore, #tpu.memory_space<semaphore_mem>>)
      %add3A_335 = arith.constant 1000 : i32
      %add3A_336 = arith.addi %multiple_of3A_320, %add3A_335 : i32
      %multiple_of3A_337 = tpu.assume_multiple %add3A_336, 8 : i32
      %dma_start3A_338 = arith.constant 40 : i32
      %dma_start3A_339 = arith.constant 0 : i32
      %dma_start3A_340 = tpu.memref_slice %arg9[%dma_start3A_338, %dma_start3A_339] : memref<80x64xi32, #tpu.memory_space<vmem>> -> memref<40x64xi32, #tpu.memory_space<vmem>>
      %dma_start3A_341 = tpu.memref_slice %arg7[%multiple_of3A_337] : memref<10000xi32, #tpu.memory_space<vmem>> -> memref<40xi32, #tpu.memory_space<vmem>>
      %dma_start3A_342 = arith.constant 0 : i32
      %dma_start3A_343 = arith.constant 0 : i32
      %dma_start3A_344 = tpu.memref_slice %arg2[%dma_start3A_342, %dma_start3A_343] : memref<10000x64xi32, #tpu.memory_space<hbm>> -> memref<10000x64xi32, #tpu.memory_space<hbm>>
      tpu.enqueue_indirect_dma source(%dma_start3A_344 : memref<10000x64xi32, #tpu.memory_space<hbm>>) target(%dma_start3A_340 : memref<40x64xi32, #tpu.memory_space<vmem>>) offsets(%dma_start3A_341 : memref<40xi32, #tpu.memory_space<vmem>>) semaphore(%arg15 : memref<!tpu.dma_semaphore, #tpu.memory_space<semaphore_mem>>)
      %add3A_345 = arith.constant 1000 : i32
      %add3A_346 = arith.addi %multiple_of3A_320, %add3A_345 : i32
      %multiple_of3A_347 = tpu.assume_multiple %add3A_346, 8 : i32
      %dma_start3A_348 = arith.constant 40 : i32
      %dma_start3A_349 = arith.constant 0 : i32
      %dma_start3A_350 = tpu.memref_slice %arg10[%dma_start3A_348, %dma_start3A_349] : memref<80x64xi32, #tpu.memory_space<vmem>> -> memref<40x64xi32, #tpu.memory_space<vmem>>
      %dma_start3A_351 = tpu.memref_slice %arg8[%multiple_of3A_347] : memref<10000xi32, #tpu.memory_space<vmem>> -> memref<40xi32, #tpu.memory_space<vmem>>
      %dma_start3A_352 = arith.constant 0 : i32
      %dma_start3A_353 = arith.constant 0 : i32
      %dma_start3A_354 = tpu.memref_slice %arg3[%dma_start3A_352, %dma_start3A_353] : memref<10000x64xi32, #tpu.memory_space<hbm>> -> memref<10000x64xi32, #tpu.memory_space<hbm>>
      tpu.enqueue_indirect_dma source(%dma_start3A_354 : memref<10000x64xi32, #tpu.memory_space<hbm>>) target(%dma_start3A_350 : memref<40x64xi32, #tpu.memory_space<vmem>>) offsets(%dma_start3A_351 : memref<40xi32, #tpu.memory_space<vmem>>) semaphore(%arg15 : memref<!tpu.dma_semaphore, #tpu.memory_space<semaphore_mem>>)
      %dma_wait3A_355 = arith.constant 0 : i32
      %dma_wait3A_356 = arith.constant 0 : i32
      %dma_wait3A_357 = tpu.memref_slice %arg11[%dma_wait3A_355, %dma_wait3A_356] : memref<80x64xi32, #tpu.memory_space<vmem>> -> memref<40x64xi32, #tpu.memory_space<vmem>>
      %dma_wait3A_358 = arith.constant 0 : i32
      %dma_wait3A_359 = tpu.memref_slice %arg7[%dma_wait3A_358] : memref<10000xi32, #tpu.memory_space<vmem>> -> memref<40xi32, #tpu.memory_space<vmem>>
      %dma_wait3A_360 = arith.constant 0 : i32
      %dma_wait3A_361 = arith.constant 0 : i32
      %dma_wait3A_362 = tpu.memref_slice %arg2[%dma_wait3A_360, %dma_wait3A_361] : memref<10000x64xi32, #tpu.memory_space<hbm>> -> memref<10000x64xi32, #tpu.memory_space<hbm>>
      tpu.wait_indirect_dma semaphore(%arg16 : memref<!tpu.dma_semaphore, #tpu.memory_space<semaphore_mem>>) src(%dma_wait3A_362 : memref<10000x64xi32, #tpu.memory_space<hbm>>) dst(%dma_wait3A_357 : memref<40x64xi32, #tpu.memory_space<vmem>>)
      %dma_wait3A_363 = arith.constant 0 : i32
      %dma_wait3A_364 = arith.constant 0 : i32
      %dma_wait3A_365 = tpu.memref_slice %arg12[%dma_wait3A_363, %dma_wait3A_364] : memref<80x64xi32, #tpu.memory_space<vmem>> -> memref<40x64xi32, #tpu.memory_space<vmem>>
      %dma_wait3A_366 = arith.constant 0 : i32
      %dma_wait3A_367 = tpu.memref_slice %arg8[%dma_wait3A_366] : memref<10000xi32, #tpu.memory_space<vmem>> -> memref<40xi32, #tpu.memory_space<vmem>>
      %dma_wait3A_368 = arith.constant 0 : i32
      %dma_wait3A_369 = arith.constant 0 : i32
      %dma_wait3A_370 = tpu.memref_slice %arg3[%dma_wait3A_368, %dma_wait3A_369] : memref<10000x64xi32, #tpu.memory_space<hbm>> -> memref<10000x64xi32, #tpu.memory_space<hbm>>
      tpu.wait_indirect_dma semaphore(%arg16 : memref<!tpu.dma_semaphore, #tpu.memory_space<semaphore_mem>>) src(%dma_wait3A_370 : memref<10000x64xi32, #tpu.memory_space<hbm>>) dst(%dma_wait3A_365 : memref<40x64xi32, #tpu.memory_space<vmem>>)
      %dma_wait3A_371 = arith.constant 40 : i32
      %dma_wait3A_372 = arith.constant 0 : i32
      %dma_wait3A_373 = tpu.memref_slice %arg11[%dma_wait3A_371, %dma_wait3A_372] : memref<80x64xi32, #tpu.memory_space<vmem>> -> memref<40x64xi32, #tpu.memory_space<vmem>>
      %dma_wait3A_374 = arith.constant 0 : i32
      %dma_wait3A_375 = tpu.memref_slice %arg7[%dma_wait3A_374] : memref<10000xi32, #tpu.memory_space<vmem>> -> memref<40xi32, #tpu.memory_space<vmem>>
      %dma_wait3A_376 = arith.constant 0 : i32
      %dma_wait3A_377 = arith.constant 0 : i32
      %dma_wait3A_378 = tpu.memref_slice %arg2[%dma_wait3A_376, %dma_wait3A_377] : memref<10000x64xi32, #tpu.memory_space<hbm>> -> memref<10000x64xi32, #tpu.memory_space<hbm>>
      tpu.wait_indirect_dma semaphore(%arg16 : memref<!tpu.dma_semaphore, #tpu.memory_space<semaphore_mem>>) src(%dma_wait3A_378 : memref<10000x64xi32, #tpu.memory_space<hbm>>) dst(%dma_wait3A_373 : memref<40x64xi32, #tpu.memory_space<vmem>>)
      %dma_wait3A_379 = arith.constant 40 : i32
      %dma_wait3A_380 = arith.constant 0 : i32
      %dma_wait3A_381 = tpu.memref_slice %arg12[%dma_wait3A_379, %dma_wait3A_380] : memref<80x64xi32, #tpu.memory_space<vmem>> -> memref<40x64xi32, #tpu.memory_space<vmem>>
      %dma_wait3A_382 = arith.constant 0 : i32
      %dma_wait3A_383 = tpu.memref_slice %arg8[%dma_wait3A_382] : memref<10000xi32, #tpu.memory_space<vmem>> -> memref<40xi32, #tpu.memory_space<vmem>>
      %dma_wait3A_384 = arith.constant 0 : i32
      %dma_wait3A_385 = arith.constant 0 : i32
      %dma_wait3A_386 = tpu.memref_slice %arg3[%dma_wait3A_384, %dma_wait3A_385] : memref<10000x64xi32, #tpu.memory_space<hbm>> -> memref<10000x64xi32, #tpu.memory_space<hbm>>
      tpu.wait_indirect_dma semaphore(%arg16 : memref<!tpu.dma_semaphore, #tpu.memory_space<semaphore_mem>>) src(%dma_wait3A_386 : memref<10000x64xi32, #tpu.memory_space<hbm>>) dst(%dma_wait3A_381 : memref<40x64xi32, #tpu.memory_space<vmem>>)
      %gt3A_387 = arith.constant 0 : i32
      %gt3A_388 = arith.cmpi sgt, %scan3A_105, %gt3A_387 : i32
      %convert_element_type3A_389 = arith.extui %gt3A_388 : i1 to i32
      %cond3A_390 = arith.constant 0 : i32
      %cond3A_391 = arith.cmpi ne, %convert_element_type3A_389, %cond3A_390 : i32
      scf.if %cond3A_391 {
        %dma_wait3A_451 = arith.constant 0 : i32
        %dma_wait3A_452 = tpu.memref_slice %arg6[%multiple_of3A_5, %dma_wait3A_451] : memref<160000x128xi32, #tpu.memory_space<hbm>> -> memref<40x128xi32, #tpu.memory_space<hbm>>
        %dma_wait3A_453 = arith.constant 0 : i32
        %dma_wait3A_454 = tpu.memref_slice %arg6[%multiple_of3A_5, %dma_wait3A_453] : memref<160000x128xi32, #tpu.memory_space<hbm>> -> memref<40x128xi32, #tpu.memory_space<hbm>>
        tpu.wait_dma2 semaphore(%arg18 : memref<!tpu.dma_semaphore, #tpu.memory_space<semaphore_mem>>) src(%arg14 : memref<40x128xi32, #tpu.memory_space<vmem>>) dst(%dma_wait3A_454 : memref<40x128xi32, #tpu.memory_space<hbm>>)
      } else {
      }
      %scan3A_392 = arith.constant 0 : i32
      %scan3A_393 = arith.constant 0 : i32
      %scan3A_394 = arith.constant 40 : i32
      %scan3A_395 = arith.addi %scan3A_393, %scan3A_394 : i32
      %scan3A_396 = arith.constant 1 : i32
      scf.for %scan3A_451 = %scan3A_393 to %scan3A_395 step %scan3A_396  : i32 {
        %get3A = arith.index_cast %scan3A_451 : i32 to index
        %get3A_452 = arith.constant 0 : index
        %get3A_453 = tpu.vector_load %arg11[%get3A, %get3A_452] {strides = array<i32>} : memref<80x64xi32, #tpu.memory_space<vmem>>, vector<16xi32>,
        %get3A_454 = arith.index_cast %scan3A_451 : i32 to index
        %get3A_455 = arith.constant 0 : index
        %get3A_456 = tpu.vector_load %arg12[%get3A_454, %get3A_455] {strides = array<i32>} : memref<80x64xi32, #tpu.memory_space<vmem>>, vector<16xi32>,
        %bitcast3A = vector.bitcast %get3A_453 : vector<16xi32> to vector<32xbf16>
        %bitcast3A_457 = vector.bitcast %get3A_456 : vector<16xi32> to vector<32xbf16>
        %add3A_458 = arith.addf %bitcast3A, %bitcast3A_457 : vector<32xbf16>
        %bitcast3A_459 = vector.bitcast %add3A_458 : vector<32xbf16> to vector<16xi32>
        %add3A_460 = arith.constant 40 : i32
        %add3A_461 = arith.addi %scan3A_451, %add3A_460 : i32
        %get3A_462 = arith.index_cast %add3A_461 : i32 to index
        %get3A_463 = arith.constant 0 : index
        %get3A_464 = tpu.vector_load %arg11[%get3A_462, %get3A_463] {strides = array<i32>} : memref<80x64xi32, #tpu.memory_space<vmem>>, vector<16xi32>,
        %add3A_465 = arith.constant 40 : i32
        %add3A_466 = arith.addi %scan3A_451, %add3A_465 : i32
        %get3A_467 = arith.index_cast %add3A_466 : i32 to index
        %get3A_468 = arith.constant 0 : index
        %get3A_469 = tpu.vector_load %arg12[%get3A_467, %get3A_468] {strides = array<i32>} : memref<80x64xi32, #tpu.memory_space<vmem>>, vector<16xi32>,
        %bitcast3A_470 = vector.bitcast %get3A_464 : vector<16xi32> to vector<32xbf16>
        %bitcast3A_471 = vector.bitcast %get3A_469 : vector<16xi32> to vector<32xbf16>
        %add3A_472 = arith.addf %bitcast3A_470, %bitcast3A_471 : vector<32xbf16>
        %bitcast3A_473 = vector.bitcast %add3A_472 : vector<32xbf16> to vector<16xi32>
        %and3A_474 = arith.constant 65535 : i32
        %and3A_475 = vector.broadcast %and3A_474 : i32 to vector<16xi32>
        %and3A_476 = arith.andi %bitcast3A_459, %and3A_475 : vector<16xi32>
        %shift_left3A = arith.constant 16 : i32
        %shift_left3A_477 = vector.broadcast %shift_left3A : i32 to vector<16xi32>
        %shift_left3A_478 = arith.shli %bitcast3A_473, %shift_left3A_477 : vector<16xi32>
        %or3A = arith.ori %and3A_476, %shift_left3A_478 : vector<16xi32>
        %swap3A = arith.index_cast %scan3A_451 : i32 to index
        %swap3A_479 = arith.constant 0 : index
        %swap3A_480 = tpu.vector_load %arg14[%swap3A, %swap3A_479] {strides = array<i32>} : memref<40x128xi32, #tpu.memory_space<vmem>>, vector<16xi32>,
        tpu.vector_store %arg14[%swap3A, %swap3A_479], %or3A {strides = array<i32>} : memref<40x128xi32, #tpu.memory_space<vmem>>, vector<16xi32>,
        %shift_right_logical3A = arith.constant 16 : i32
        %shift_right_logical3A_481 = vector.broadcast %shift_right_logical3A : i32 to vector<16xi32>
        %shift_right_logical3A_482 = arith.shrui %bitcast3A_459, %shift_right_logical3A_481 : vector<16xi32>
        %and3A_483 = arith.constant -65536 : i32
        %and3A_484 = vector.broadcast %and3A_483 : i32 to vector<16xi32>
        %and3A_485 = arith.andi %bitcast3A_473, %and3A_484 : vector<16xi32>
        %or3A_486 = arith.ori %shift_right_logical3A_482, %and3A_485 : vector<16xi32>
        %swap3A_487 = arith.index_cast %scan3A_451 : i32 to index
        %swap3A_488 = arith.constant 64 : index
        %swap3A_489 = tpu.vector_load %arg14[%swap3A_487, %swap3A_488] {strides = array<i32>} : memref<40x128xi32, #tpu.memory_space<vmem>>, vector<16xi32>,
        tpu.vector_store %arg14[%swap3A_487, %swap3A_488], %or3A_486 {strides = array<i32>} : memref<40x128xi32, #tpu.memory_space<vmem>>, vector<16xi32>,
        %get3A_490 = arith.index_cast %scan3A_451 : i32 to index
        %get3A_491 = arith.constant 16 : index
        %get3A_492 = tpu.vector_load %arg11[%get3A_490, %get3A_491] {strides = array<i32>} : memref<80x64xi32, #tpu.memory_space<vmem>>, vector<16xi32>,
        %get3A_493 = arith.index_cast %scan3A_451 : i32 to index
        %get3A_494 = arith.constant 16 : index
        %get3A_495 = tpu.vector_load %arg12[%get3A_493, %get3A_494] {strides = array<i32>} : memref<80x64xi32, #tpu.memory_space<vmem>>, vector<16xi32>,
        %bitcast3A_496 = vector.bitcast %get3A_492 : vector<16xi32> to vector<32xbf16>
        %bitcast3A_497 = vector.bitcast %get3A_495 : vector<16xi32> to vector<32xbf16>
        %add3A_498 = arith.addf %bitcast3A_496, %bitcast3A_497 : vector<32xbf16>
        %bitcast3A_499 = vector.bitcast %add3A_498 : vector<32xbf16> to vector<16xi32>
        %add3A_500 = arith.constant 40 : i32
        %add3A_501 = arith.addi %scan3A_451, %add3A_500 : i32
        %get3A_502 = arith.index_cast %add3A_501 : i32 to index
        %get3A_503 = arith.constant 16 : index
        %get3A_504 = tpu.vector_load %arg11[%get3A_502, %get3A_503] {strides = array<i32>} : memref<80x64xi32, #tpu.memory_space<vmem>>, vector<16xi32>,
        %add3A_505 = arith.constant 40 : i32
        %add3A_506 = arith.addi %scan3A_451, %add3A_505 : i32
        %get3A_507 = arith.index_cast %add3A_506 : i32 to index
        %get3A_508 = arith.constant 16 : index
        %get3A_509 = tpu.vector_load %arg12[%get3A_507, %get3A_508] {strides = array<i32>} : memref<80x64xi32, #tpu.memory_space<vmem>>, vector<16xi32>,
        %bitcast3A_510 = vector.bitcast %get3A_504 : vector<16xi32> to vector<32xbf16>
        %bitcast3A_511 = vector.bitcast %get3A_509 : vector<16xi32> to vector<32xbf16>
        %add3A_512 = arith.addf %bitcast3A_510, %bitcast3A_511 : vector<32xbf16>
        %bitcast3A_513 = vector.bitcast %add3A_512 : vector<32xbf16> to vector<16xi32>
        %and3A_514 = arith.constant 65535 : i32
        %and3A_515 = vector.broadcast %and3A_514 : i32 to vector<16xi32>
        %and3A_516 = arith.andi %bitcast3A_499, %and3A_515 : vector<16xi32>
        %shift_left3A_517 = arith.constant 16 : i32
        %shift_left3A_518 = vector.broadcast %shift_left3A_517 : i32 to vector<16xi32>
        %shift_left3A_519 = arith.shli %bitcast3A_513, %shift_left3A_518 : vector<16xi32>
        %or3A_520 = arith.ori %and3A_516, %shift_left3A_519 : vector<16xi32>
        %swap3A_521 = arith.index_cast %scan3A_451 : i32 to index
        %swap3A_522 = arith.constant 16 : index
        %swap3A_523 = tpu.vector_load %arg14[%swap3A_521, %swap3A_522] {strides = array<i32>} : memref<40x128xi32, #tpu.memory_space<vmem>>, vector<16xi32>,
        tpu.vector_store %arg14[%swap3A_521, %swap3A_522], %or3A_520 {strides = array<i32>} : memref<40x128xi32, #tpu.memory_space<vmem>>, vector<16xi32>,
        %shift_right_logical3A_524 = arith.constant 16 : i32
        %shift_right_logical3A_525 = vector.broadcast %shift_right_logical3A_524 : i32 to vector<16xi32>
        %shift_right_logical3A_526 = arith.shrui %bitcast3A_499, %shift_right_logical3A_525 : vector<16xi32>
        %and3A_527 = arith.constant -65536 : i32
        %and3A_528 = vector.broadcast %and3A_527 : i32 to vector<16xi32>
        %and3A_529 = arith.andi %bitcast3A_513, %and3A_528 : vector<16xi32>
        %or3A_530 = arith.ori %shift_right_logical3A_526, %and3A_529 : vector<16xi32>
        %swap3A_531 = arith.index_cast %scan3A_451 : i32 to index
        %swap3A_532 = arith.constant 80 : index
        %swap3A_533 = tpu.vector_load %arg14[%swap3A_531, %swap3A_532] {strides = array<i32>} : memref<40x128xi32, #tpu.memory_space<vmem>>, vector<16xi32>,
        tpu.vector_store %arg14[%swap3A_531, %swap3A_532], %or3A_530 {strides = array<i32>} : memref<40x128xi32, #tpu.memory_space<vmem>>, vector<16xi32>,
        %get3A_534 = arith.index_cast %scan3A_451 : i32 to index
        %get3A_535 = arith.constant 32 : index
        %get3A_536 = tpu.vector_load %arg11[%get3A_534, %get3A_535] {strides = array<i32>} : memref<80x64xi32, #tpu.memory_space<vmem>>, vector<16xi32>,
        %get3A_537 = arith.index_cast %scan3A_451 : i32 to index
        %get3A_538 = arith.constant 32 : index
        %get3A_539 = tpu.vector_load %arg12[%get3A_537, %get3A_538] {strides = array<i32>} : memref<80x64xi32, #tpu.memory_space<vmem>>, vector<16xi32>,
        %bitcast3A_540 = vector.bitcast %get3A_536 : vector<16xi32> to vector<32xbf16>
        %bitcast3A_541 = vector.bitcast %get3A_539 : vector<16xi32> to vector<32xbf16>
        %add3A_542 = arith.addf %bitcast3A_540, %bitcast3A_541 : vector<32xbf16>
        %bitcast3A_543 = vector.bitcast %add3A_542 : vector<32xbf16> to vector<16xi32>
        %add3A_544 = arith.constant 40 : i32
        %add3A_545 = arith.addi %scan3A_451, %add3A_544 : i32
        %get3A_546 = arith.index_cast %add3A_545 : i32 to index
        %get3A_547 = arith.constant 32 : index
        %get3A_548 = tpu.vector_load %arg11[%get3A_546, %get3A_547] {strides = array<i32>} : memref<80x64xi32, #tpu.memory_space<vmem>>, vector<16xi32>,
        %add3A_549 = arith.constant 40 : i32
        %add3A_550 = arith.addi %scan3A_451, %add3A_549 : i32
        %get3A_551 = arith.index_cast %add3A_550 : i32 to index
        %get3A_552 = arith.constant 32 : index
        %get3A_553 = tpu.vector_load %arg12[%get3A_551, %get3A_552] {strides = array<i32>} : memref<80x64xi32, #tpu.memory_space<vmem>>, vector<16xi32>,
        %bitcast3A_554 = vector.bitcast %get3A_548 : vector<16xi32> to vector<32xbf16>
        %bitcast3A_555 = vector.bitcast %get3A_553 : vector<16xi32> to vector<32xbf16>
        %add3A_556 = arith.addf %bitcast3A_554, %bitcast3A_555 : vector<32xbf16>
        %bitcast3A_557 = vector.bitcast %add3A_556 : vector<32xbf16> to vector<16xi32>
        %and3A_558 = arith.constant 65535 : i32
        %and3A_559 = vector.broadcast %and3A_558 : i32 to vector<16xi32>
        %and3A_560 = arith.andi %bitcast3A_543, %and3A_559 : vector<16xi32>
        %shift_left3A_561 = arith.constant 16 : i32
        %shift_left3A_562 = vector.broadcast %shift_left3A_561 : i32 to vector<16xi32>
        %shift_left3A_563 = arith.shli %bitcast3A_557, %shift_left3A_562 : vector<16xi32>
        %or3A_564 = arith.ori %and3A_560, %shift_left3A_563 : vector<16xi32>
        %swap3A_565 = arith.index_cast %scan3A_451 : i32 to index
        %swap3A_566 = arith.constant 32 : index
        %swap3A_567 = tpu.vector_load %arg14[%swap3A_565, %swap3A_566] {strides = array<i32>} : memref<40x128xi32, #tpu.memory_space<vmem>>, vector<16xi32>,
        tpu.vector_store %arg14[%swap3A_565, %swap3A_566], %or3A_564 {strides = array<i32>} : memref<40x128xi32, #tpu.memory_space<vmem>>, vector<16xi32>,
        %shift_right_logical3A_568 = arith.constant 16 : i32
        %shift_right_logical3A_569 = vector.broadcast %shift_right_logical3A_568 : i32 to vector<16xi32>
        %shift_right_logical3A_570 = arith.shrui %bitcast3A_543, %shift_right_logical3A_569 : vector<16xi32>
        %and3A_571 = arith.constant -65536 : i32
        %and3A_572 = vector.broadcast %and3A_571 : i32 to vector<16xi32>
        %and3A_573 = arith.andi %bitcast3A_557, %and3A_572 : vector<16xi32>
        %or3A_574 = arith.ori %shift_right_logical3A_570, %and3A_573 : vector<16xi32>
        %swap3A_575 = arith.index_cast %scan3A_451 : i32 to index
        %swap3A_576 = arith.constant 96 : index
        %swap3A_577 = tpu.vector_load %arg14[%swap3A_575, %swap3A_576] {strides = array<i32>} : memref<40x128xi32, #tpu.memory_space<vmem>>, vector<16xi32>,
        tpu.vector_store %arg14[%swap3A_575, %swap3A_576], %or3A_574 {strides = array<i32>} : memref<40x128xi32, #tpu.memory_space<vmem>>, vector<16xi32>,
        %get3A_578 = arith.index_cast %scan3A_451 : i32 to index
        %get3A_579 = arith.constant 48 : index
        %get3A_580 = tpu.vector_load %arg11[%get3A_578, %get3A_579] {strides = array<i32>} : memref<80x64xi32, #tpu.memory_space<vmem>>, vector<16xi32>,
        %get3A_581 = arith.index_cast %scan3A_451 : i32 to index
        %get3A_582 = arith.constant 48 : index
        %get3A_583 = tpu.vector_load %arg12[%get3A_581, %get3A_582] {strides = array<i32>} : memref<80x64xi32, #tpu.memory_space<vmem>>, vector<16xi32>,
        %bitcast3A_584 = vector.bitcast %get3A_580 : vector<16xi32> to vector<32xbf16>
        %bitcast3A_585 = vector.bitcast %get3A_583 : vector<16xi32> to vector<32xbf16>
        %add3A_586 = arith.addf %bitcast3A_584, %bitcast3A_585 : vector<32xbf16>
        %bitcast3A_587 = vector.bitcast %add3A_586 : vector<32xbf16> to vector<16xi32>
        %add3A_588 = arith.constant 40 : i32
        %add3A_589 = arith.addi %scan3A_451, %add3A_588 : i32
        %get3A_590 = arith.index_cast %add3A_589 : i32 to index
        %get3A_591 = arith.constant 48 : index
        %get3A_592 = tpu.vector_load %arg11[%get3A_590, %get3A_591] {strides = array<i32>} : memref<80x64xi32, #tpu.memory_space<vmem>>, vector<16xi32>,
        %add3A_593 = arith.constant 40 : i32
        %add3A_594 = arith.addi %scan3A_451, %add3A_593 : i32
        %get3A_595 = arith.index_cast %add3A_594 : i32 to index
        %get3A_596 = arith.constant 48 : index
        %get3A_597 = tpu.vector_load %arg12[%get3A_595, %get3A_596] {strides = array<i32>} : memref<80x64xi32, #tpu.memory_space<vmem>>, vector<16xi32>,
        %bitcast3A_598 = vector.bitcast %get3A_592 : vector<16xi32> to vector<32xbf16>
        %bitcast3A_599 = vector.bitcast %get3A_597 : vector<16xi32> to vector<32xbf16>
        %add3A_600 = arith.addf %bitcast3A_598, %bitcast3A_599 : vector<32xbf16>
        %bitcast3A_601 = vector.bitcast %add3A_600 : vector<32xbf16> to vector<16xi32>
        %and3A_602 = arith.constant 65535 : i32
        %and3A_603 = vector.broadcast %and3A_602 : i32 to vector<16xi32>
        %and3A_604 = arith.andi %bitcast3A_587, %and3A_603 : vector<16xi32>
        %shift_left3A_605 = arith.constant 16 : i32
        %shift_left3A_606 = vector.broadcast %shift_left3A_605 : i32 to vector<16xi32>
        %shift_left3A_607 = arith.shli %bitcast3A_601, %shift_left3A_606 : vector<16xi32>
        %or3A_608 = arith.ori %and3A_604, %shift_left3A_607 : vector<16xi32>
        %swap3A_609 = arith.index_cast %scan3A_451 : i32 to index
        %swap3A_610 = arith.constant 48 : index
        %swap3A_611 = tpu.vector_load %arg14[%swap3A_609, %swap3A_610] {strides = array<i32>} : memref<40x128xi32, #tpu.memory_space<vmem>>, vector<16xi32>,
        tpu.vector_store %arg14[%swap3A_609, %swap3A_610], %or3A_608 {strides = array<i32>} : memref<40x128xi32, #tpu.memory_space<vmem>>, vector<16xi32>,
        %shift_right_logical3A_612 = arith.constant 16 : i32
        %shift_right_logical3A_613 = vector.broadcast %shift_right_logical3A_612 : i32 to vector<16xi32>
        %shift_right_logical3A_614 = arith.shrui %bitcast3A_587, %shift_right_logical3A_613 : vector<16xi32>
        %and3A_615 = arith.constant -65536 : i32
        %and3A_616 = vector.broadcast %and3A_615 : i32 to vector<16xi32>
        %and3A_617 = arith.andi %bitcast3A_601, %and3A_616 : vector<16xi32>
        %or3A_618 = arith.ori %shift_right_logical3A_614, %and3A_617 : vector<16xi32>
        %swap3A_619 = arith.index_cast %scan3A_451 : i32 to index
        %swap3A_620 = arith.constant 112 : index
        %swap3A_621 = tpu.vector_load %arg14[%swap3A_619, %swap3A_620] {strides = array<i32>} : memref<40x128xi32, #tpu.memory_space<vmem>>, vector<16xi32>,
        tpu.vector_store %arg14[%swap3A_619, %swap3A_620], %or3A_618 {strides = array<i32>} : memref<40x128xi32, #tpu.memory_space<vmem>>, vector<16xi32>,
      }
      %scan3A_397 = arith.constant 40 : i32
      %add3A_398 = arith.constant 1 : i32
      %add3A_399 = arith.addi %mul3A_107, %add3A_398 : i32
      %jit3A_400 = arith.constant 25 : i32
      %div3A_401 = arith.divsi %add3A_399, %jit3A_400 : i32
      %sign3A_402 = arith.constant 0 : i32
      %sign3A_403 = arith.cmpi sgt, %add3A_399, %sign3A_402 : i32
      %sign3A_404 = arith.extui %sign3A_403 : i1 to i32
      %sign3A_405 = arith.constant 0 : i32
      %sign3A_406 = arith.cmpi slt, %add3A_399, %sign3A_405 : i32
      %sign3A_407 = arith.extui %sign3A_406 : i1 to i32
      %sign3A_408 = arith.subi %sign3A_404, %sign3A_407 : i32
      %sign3A_409 = arith.constant 0 : i32
      %sign3A_410 = arith.cmpi sgt, %jit3A_400, %sign3A_409 : i32
      %sign3A_411 = arith.extui %sign3A_410 : i1 to i32
      %sign3A_412 = arith.constant 0 : i32
      %sign3A_413 = arith.cmpi slt, %jit3A_400, %sign3A_412 : i32
      %sign3A_414 = arith.extui %sign3A_413 : i1 to i32
      %sign3A_415 = arith.subi %sign3A_411, %sign3A_414 : i32
      %ne3A_416 = arith.cmpi ne, %sign3A_408, %sign3A_415 : i32
      %rem3A_417 = arith.remsi %add3A_399, %jit3A_400 : i32
      %ne3A_418 = arith.constant 0 : i32
      %ne3A_419 = arith.cmpi ne, %rem3A_417, %ne3A_418 : i32
      %and3A_420 = arith.andi %ne3A_416, %ne3A_419 : i1
      %sub3A_421 = arith.constant 1 : i32
      %sub3A_422 = arith.subi %div3A_401, %sub3A_421 : i32
      %select_n3A_423 = arith.select %and3A_420, %sub3A_422, %div3A_401 : i32
      %jit3A_424 = arith.constant 25 : i32
      %eq3A_425 = arith.constant 0 : i32
      %eq3A_426 = arith.cmpi eq, %jit3A_424, %eq3A_425 : i32
      %jit3A_427 = arith.constant 1 : i32
      %select_n3A_428 = arith.select %eq3A_426, %jit3A_427, %jit3A_424 : i32
      %rem3A_429 = arith.remsi %add3A_399, %select_n3A_428 : i32
      %ne3A_430 = arith.constant 0 : i32
      %ne3A_431 = arith.cmpi ne, %rem3A_429, %ne3A_430 : i32
      %lt3A_432 = arith.constant 0 : i32
      %lt3A_433 = arith.cmpi slt, %rem3A_429, %lt3A_432 : i32
      %lt3A_434 = arith.constant 0 : i32
      %lt3A_435 = arith.cmpi slt, %select_n3A_428, %lt3A_434 : i32
      %ne3A_436 = arith.xori %lt3A_433, %lt3A_435 : i1
      %and3A_437 = arith.andi %ne3A_436, %ne3A_431 : i1
      %add3A_438 = arith.addi %rem3A_429, %select_n3A_428 : i32
      %select_n3A_439 = arith.select %and3A_437, %add3A_438, %rem3A_429 : i32
      %mul3A_440 = arith.constant 1000 : i32
      %mul3A_441 = arith.muli %select_n3A_423, %mul3A_440 : i32
      %add3A_442 = arith.addi %multiple_of3A_5, %mul3A_441 : i32
      %mul3A_443 = arith.constant 40 : i32
      %mul3A_444 = arith.muli %select_n3A_439, %mul3A_443 : i32
      %add3A_445 = arith.addi %add3A_442, %mul3A_444 : i32
      %multiple_of3A_446 = tpu.assume_multiple %add3A_445, 8 : i32
      %dma_start3A_447 = arith.constant 0 : i32
      %dma_start3A_448 = tpu.memref_slice %arg6[%multiple_of3A_446, %dma_start3A_447] : memref<160000x128xi32, #tpu.memory_space<hbm>> -> memref<40x128xi32, #tpu.memory_space<hbm>>
      %dma_start3A_449 = arith.constant 0 : i32
      %dma_start3A_450 = tpu.memref_slice %arg6[%multiple_of3A_446, %dma_start3A_449] : memref<160000x128xi32, #tpu.memory_space<hbm>> -> memref<40x128xi32, #tpu.memory_space<hbm>>
      tpu.enqueue_dma source(%arg14 : memref<40x128xi32, #tpu.memory_space<vmem>>) target(%dma_start3A_450 : memref<40x128xi32, #tpu.memory_space<hbm>>) target_semaphore(%arg18 : memref<!tpu.dma_semaphore, #tpu.memory_space<semaphore_mem>>)
    }
    %scan3A_46 = arith.constant 62 : i32
    %dma_wait3A = arith.constant 0 : i32
    %dma_wait3A_47 = arith.constant 0 : i32
    %dma_wait3A_48 = tpu.memref_slice %arg9[%dma_wait3A, %dma_wait3A_47] : memref<80x64xi32, #tpu.memory_space<vmem>> -> memref<40x64xi32, #tpu.memory_space<vmem>>
    %dma_wait3A_49 = arith.constant 0 : i32
    %dma_wait3A_50 = tpu.memref_slice %arg7[%dma_wait3A_49] : memref<10000xi32, #tpu.memory_space<vmem>> -> memref<40xi32, #tpu.memory_space<vmem>>
    %dma_wait3A_51 = arith.constant 0 : i32
    %dma_wait3A_52 = arith.constant 0 : i32
    %dma_wait3A_53 = tpu.memref_slice %arg2[%dma_wait3A_51, %dma_wait3A_52] : memref<10000x64xi32, #tpu.memory_space<hbm>> -> memref<10000x64xi32, #tpu.memory_space<hbm>>
    tpu.wait_indirect_dma semaphore(%arg15 : memref<!tpu.dma_semaphore, #tpu.memory_space<semaphore_mem>>) src(%dma_wait3A_53 : memref<10000x64xi32, #tpu.memory_space<hbm>>) dst(%dma_wait3A_48 : memref<40x64xi32, #tpu.memory_space<vmem>>)
    %dma_wait3A_54 = arith.constant 0 : i32
    %dma_wait3A_55 = arith.constant 0 : i32
    %dma_wait3A_56 = tpu.memref_slice %arg10[%dma_wait3A_54, %dma_wait3A_55] : memref<80x64xi32, #tpu.memory_space<vmem>> -> memref<40x64xi32, #tpu.memory_space<vmem>>
    %dma_wait3A_57 = arith.constant 0 : i32
    %dma_wait3A_58 = tpu.memref_slice %arg8[%dma_wait3A_57] : memref<10000xi32, #tpu.memory_space<vmem>> -> memref<40xi32, #tpu.memory_space<vmem>>
    %dma_wait3A_59 = arith.constant 0 : i32
    %dma_wait3A_60 = arith.constant 0 : i32
    %dma_wait3A_61 = tpu.memref_slice %arg3[%dma_wait3A_59, %dma_wait3A_60] : memref<10000x64xi32, #tpu.memory_space<hbm>> -> memref<10000x64xi32, #tpu.memory_space<hbm>>
    tpu.wait_indirect_dma semaphore(%arg15 : memref<!tpu.dma_semaphore, #tpu.memory_space<semaphore_mem>>) src(%dma_wait3A_61 : memref<10000x64xi32, #tpu.memory_space<hbm>>) dst(%dma_wait3A_56 : memref<40x64xi32, #tpu.memory_space<vmem>>)
    %dma_wait3A_62 = arith.constant 40 : i32
    %dma_wait3A_63 = arith.constant 0 : i32
    %dma_wait3A_64 = tpu.memref_slice %arg9[%dma_wait3A_62, %dma_wait3A_63] : memref<80x64xi32, #tpu.memory_space<vmem>> -> memref<40x64xi32, #tpu.memory_space<vmem>>
    %dma_wait3A_65 = arith.constant 0 : i32
    %dma_wait3A_66 = tpu.memref_slice %arg7[%dma_wait3A_65] : memref<10000xi32, #tpu.memory_space<vmem>> -> memref<40xi32, #tpu.memory_space<vmem>>
    %dma_wait3A_67 = arith.constant 0 : i32
    %dma_wait3A_68 = arith.constant 0 : i32
    %dma_wait3A_69 = tpu.memref_slice %arg2[%dma_wait3A_67, %dma_wait3A_68] : memref<10000x64xi32, #tpu.memory_space<hbm>> -> memref<10000x64xi32, #tpu.memory_space<hbm>>
    tpu.wait_indirect_dma semaphore(%arg15 : memref<!tpu.dma_semaphore, #tpu.memory_space<semaphore_mem>>) src(%dma_wait3A_69 : memref<10000x64xi32, #tpu.memory_space<hbm>>) dst(%dma_wait3A_64 : memref<40x64xi32, #tpu.memory_space<vmem>>)
    %dma_wait3A_70 = arith.constant 40 : i32
    %dma_wait3A_71 = arith.constant 0 : i32
    %dma_wait3A_72 = tpu.memref_slice %arg10[%dma_wait3A_70, %dma_wait3A_71] : memref<80x64xi32, #tpu.memory_space<vmem>> -> memref<40x64xi32, #tpu.memory_space<vmem>>
    %dma_wait3A_73 = arith.constant 0 : i32
    %dma_wait3A_74 = tpu.memref_slice %arg8[%dma_wait3A_73] : memref<10000xi32, #tpu.memory_space<vmem>> -> memref<40xi32, #tpu.memory_space<vmem>>
    %dma_wait3A_75 = arith.constant 0 : i32
    %dma_wait3A_76 = arith.constant 0 : i32
    %dma_wait3A_77 = tpu.memref_slice %arg3[%dma_wait3A_75, %dma_wait3A_76] : memref<10000x64xi32, #tpu.memory_space<hbm>> -> memref<10000x64xi32, #tpu.memory_space<hbm>>
    tpu.wait_indirect_dma semaphore(%arg15 : memref<!tpu.dma_semaphore, #tpu.memory_space<semaphore_mem>>) src(%dma_wait3A_77 : memref<10000x64xi32, #tpu.memory_space<hbm>>) dst(%dma_wait3A_72 : memref<40x64xi32, #tpu.memory_space<vmem>>)
    %dma_wait3A_78 = arith.constant 0 : i32
    %dma_wait3A_79 = tpu.memref_slice %arg6[%multiple_of3A_5, %dma_wait3A_78] : memref<160000x128xi32, #tpu.memory_space<hbm>> -> memref<40x128xi32, #tpu.memory_space<hbm>>
    %dma_wait3A_80 = arith.constant 0 : i32
    %dma_wait3A_81 = tpu.memref_slice %arg6[%multiple_of3A_5, %dma_wait3A_80] : memref<160000x128xi32, #tpu.memory_space<hbm>> -> memref<40x128xi32, #tpu.memory_space<hbm>>
    tpu.wait_dma2 semaphore(%arg17 : memref<!tpu.dma_semaphore, #tpu.memory_space<semaphore_mem>>) src(%arg13 : memref<40x128xi32, #tpu.memory_space<vmem>>) dst(%dma_wait3A_81 : memref<40x128xi32, #tpu.memory_space<hbm>>)
    %scan3A_82 = arith.constant 0 : i32
    %scan3A_83 = arith.constant 0 : i32
    %scan3A_84 = arith.constant 40 : i32
    %scan3A_85 = arith.addi %scan3A_83, %scan3A_84 : i32
    %scan3A_86 = arith.constant 1 : i32
    scf.for %scan3A_105 = %scan3A_83 to %scan3A_85 step %scan3A_86  : i32 {
      %get3A = arith.index_cast %scan3A_105 : i32 to index
      %get3A_106 = arith.constant 0 : index
      %get3A_107 = tpu.vector_load %arg9[%get3A, %get3A_106] {strides = array<i32>} : memref<80x64xi32, #tpu.memory_space<vmem>>, vector<16xi32>,
      %get3A_108 = arith.index_cast %scan3A_105 : i32 to index
      %get3A_109 = arith.constant 0 : index
      %get3A_110 = tpu.vector_load %arg10[%get3A_108, %get3A_109] {strides = array<i32>} : memref<80x64xi32, #tpu.memory_space<vmem>>, vector<16xi32>,
      %bitcast3A = vector.bitcast %get3A_107 : vector<16xi32> to vector<32xbf16>
      %bitcast3A_111 = vector.bitcast %get3A_110 : vector<16xi32> to vector<32xbf16>
      %add3A_112 = arith.addf %bitcast3A, %bitcast3A_111 : vector<32xbf16>
      %bitcast3A_113 = vector.bitcast %add3A_112 : vector<32xbf16> to vector<16xi32>
      %add3A_114 = arith.constant 40 : i32
      %add3A_115 = arith.addi %scan3A_105, %add3A_114 : i32
      %get3A_116 = arith.index_cast %add3A_115 : i32 to index
      %get3A_117 = arith.constant 0 : index
      %get3A_118 = tpu.vector_load %arg9[%get3A_116, %get3A_117] {strides = array<i32>} : memref<80x64xi32, #tpu.memory_space<vmem>>, vector<16xi32>,
      %add3A_119 = arith.constant 40 : i32
      %add3A_120 = arith.addi %scan3A_105, %add3A_119 : i32
      %get3A_121 = arith.index_cast %add3A_120 : i32 to index
      %get3A_122 = arith.constant 0 : index
      %get3A_123 = tpu.vector_load %arg10[%get3A_121, %get3A_122] {strides = array<i32>} : memref<80x64xi32, #tpu.memory_space<vmem>>, vector<16xi32>,
      %bitcast3A_124 = vector.bitcast %get3A_118 : vector<16xi32> to vector<32xbf16>
      %bitcast3A_125 = vector.bitcast %get3A_123 : vector<16xi32> to vector<32xbf16>
      %add3A_126 = arith.addf %bitcast3A_124, %bitcast3A_125 : vector<32xbf16>
      %bitcast3A_127 = vector.bitcast %add3A_126 : vector<32xbf16> to vector<16xi32>
      %and3A = arith.constant 65535 : i32
      %and3A_128 = vector.broadcast %and3A : i32 to vector<16xi32>
      %and3A_129 = arith.andi %bitcast3A_113, %and3A_128 : vector<16xi32>
      %shift_left3A = arith.constant 16 : i32
      %shift_left3A_130 = vector.broadcast %shift_left3A : i32 to vector<16xi32>
      %shift_left3A_131 = arith.shli %bitcast3A_127, %shift_left3A_130 : vector<16xi32>
      %or3A = arith.ori %and3A_129, %shift_left3A_131 : vector<16xi32>
      %swap3A = arith.index_cast %scan3A_105 : i32 to index
      %swap3A_132 = arith.constant 0 : index
      %swap3A_133 = tpu.vector_load %arg13[%swap3A, %swap3A_132] {strides = array<i32>} : memref<40x128xi32, #tpu.memory_space<vmem>>, vector<16xi32>,
      tpu.vector_store %arg13[%swap3A, %swap3A_132], %or3A {strides = array<i32>} : memref<40x128xi32, #tpu.memory_space<vmem>>, vector<16xi32>,
      %shift_right_logical3A = arith.constant 16 : i32
      %shift_right_logical3A_134 = vector.broadcast %shift_right_logical3A : i32 to vector<16xi32>
      %shift_right_logical3A_135 = arith.shrui %bitcast3A_113, %shift_right_logical3A_134 : vector<16xi32>
      %and3A_136 = arith.constant -65536 : i32
      %and3A_137 = vector.broadcast %and3A_136 : i32 to vector<16xi32>
      %and3A_138 = arith.andi %bitcast3A_127, %and3A_137 : vector<16xi32>
      %or3A_139 = arith.ori %shift_right_logical3A_135, %and3A_138 : vector<16xi32>
      %swap3A_140 = arith.index_cast %scan3A_105 : i32 to index
      %swap3A_141 = arith.constant 64 : index
      %swap3A_142 = tpu.vector_load %arg13[%swap3A_140, %swap3A_141] {strides = array<i32>} : memref<40x128xi32, #tpu.memory_space<vmem>>, vector<16xi32>,
      tpu.vector_store %arg13[%swap3A_140, %swap3A_141], %or3A_139 {strides = array<i32>} : memref<40x128xi32, #tpu.memory_space<vmem>>, vector<16xi32>,
      %get3A_143 = arith.index_cast %scan3A_105 : i32 to index
      %get3A_144 = arith.constant 16 : index
      %get3A_145 = tpu.vector_load %arg9[%get3A_143, %get3A_144] {strides = array<i32>} : memref<80x64xi32, #tpu.memory_space<vmem>>, vector<16xi32>,
      %get3A_146 = arith.index_cast %scan3A_105 : i32 to index
      %get3A_147 = arith.constant 16 : index
      %get3A_148 = tpu.vector_load %arg10[%get3A_146, %get3A_147] {strides = array<i32>} : memref<80x64xi32, #tpu.memory_space<vmem>>, vector<16xi32>,
      %bitcast3A_149 = vector.bitcast %get3A_145 : vector<16xi32> to vector<32xbf16>
      %bitcast3A_150 = vector.bitcast %get3A_148 : vector<16xi32> to vector<32xbf16>
      %add3A_151 = arith.addf %bitcast3A_149, %bitcast3A_150 : vector<32xbf16>
      %bitcast3A_152 = vector.bitcast %add3A_151 : vector<32xbf16> to vector<16xi32>
      %add3A_153 = arith.constant 40 : i32
      %add3A_154 = arith.addi %scan3A_105, %add3A_153 : i32
      %get3A_155 = arith.index_cast %add3A_154 : i32 to index
      %get3A_156 = arith.constant 16 : index
      %get3A_157 = tpu.vector_load %arg9[%get3A_155, %get3A_156] {strides = array<i32>} : memref<80x64xi32, #tpu.memory_space<vmem>>, vector<16xi32>,
      %add3A_158 = arith.constant 40 : i32
      %add3A_159 = arith.addi %scan3A_105, %add3A_158 : i32
      %get3A_160 = arith.index_cast %add3A_159 : i32 to index
      %get3A_161 = arith.constant 16 : index
      %get3A_162 = tpu.vector_load %arg10[%get3A_160, %get3A_161] {strides = array<i32>} : memref<80x64xi32, #tpu.memory_space<vmem>>, vector<16xi32>,
      %bitcast3A_163 = vector.bitcast %get3A_157 : vector<16xi32> to vector<32xbf16>
      %bitcast3A_164 = vector.bitcast %get3A_162 : vector<16xi32> to vector<32xbf16>
      %add3A_165 = arith.addf %bitcast3A_163, %bitcast3A_164 : vector<32xbf16>
      %bitcast3A_166 = vector.bitcast %add3A_165 : vector<32xbf16> to vector<16xi32>
      %and3A_167 = arith.constant 65535 : i32
      %and3A_168 = vector.broadcast %and3A_167 : i32 to vector<16xi32>
      %and3A_169 = arith.andi %bitcast3A_152, %and3A_168 : vector<16xi32>
      %shift_left3A_170 = arith.constant 16 : i32
      %shift_left3A_171 = vector.broadcast %shift_left3A_170 : i32 to vector<16xi32>
      %shift_left3A_172 = arith.shli %bitcast3A_166, %shift_left3A_171 : vector<16xi32>
      %or3A_173 = arith.ori %and3A_169, %shift_left3A_172 : vector<16xi32>
      %swap3A_174 = arith.index_cast %scan3A_105 : i32 to index
      %swap3A_175 = arith.constant 16 : index
      %swap3A_176 = tpu.vector_load %arg13[%swap3A_174, %swap3A_175] {strides = array<i32>} : memref<40x128xi32, #tpu.memory_space<vmem>>, vector<16xi32>,
      tpu.vector_store %arg13[%swap3A_174, %swap3A_175], %or3A_173 {strides = array<i32>} : memref<40x128xi32, #tpu.memory_space<vmem>>, vector<16xi32>,
      %shift_right_logical3A_177 = arith.constant 16 : i32
      %shift_right_logical3A_178 = vector.broadcast %shift_right_logical3A_177 : i32 to vector<16xi32>
      %shift_right_logical3A_179 = arith.shrui %bitcast3A_152, %shift_right_logical3A_178 : vector<16xi32>
      %and3A_180 = arith.constant -65536 : i32
      %and3A_181 = vector.broadcast %and3A_180 : i32 to vector<16xi32>
      %and3A_182 = arith.andi %bitcast3A_166, %and3A_181 : vector<16xi32>
      %or3A_183 = arith.ori %shift_right_logical3A_179, %and3A_182 : vector<16xi32>
      %swap3A_184 = arith.index_cast %scan3A_105 : i32 to index
      %swap3A_185 = arith.constant 80 : index
      %swap3A_186 = tpu.vector_load %arg13[%swap3A_184, %swap3A_185] {strides = array<i32>} : memref<40x128xi32, #tpu.memory_space<vmem>>, vector<16xi32>,
      tpu.vector_store %arg13[%swap3A_184, %swap3A_185], %or3A_183 {strides = array<i32>} : memref<40x128xi32, #tpu.memory_space<vmem>>, vector<16xi32>,
      %get3A_187 = arith.index_cast %scan3A_105 : i32 to index
      %get3A_188 = arith.constant 32 : index
      %get3A_189 = tpu.vector_load %arg9[%get3A_187, %get3A_188] {strides = array<i32>} : memref<80x64xi32, #tpu.memory_space<vmem>>, vector<16xi32>,
      %get3A_190 = arith.index_cast %scan3A_105 : i32 to index
      %get3A_191 = arith.constant 32 : index
      %get3A_192 = tpu.vector_load %arg10[%get3A_190, %get3A_191] {strides = array<i32>} : memref<80x64xi32, #tpu.memory_space<vmem>>, vector<16xi32>,
      %bitcast3A_193 = vector.bitcast %get3A_189 : vector<16xi32> to vector<32xbf16>
      %bitcast3A_194 = vector.bitcast %get3A_192 : vector<16xi32> to vector<32xbf16>
      %add3A_195 = arith.addf %bitcast3A_193, %bitcast3A_194 : vector<32xbf16>
      %bitcast3A_196 = vector.bitcast %add3A_195 : vector<32xbf16> to vector<16xi32>
      %add3A_197 = arith.constant 40 : i32
      %add3A_198 = arith.addi %scan3A_105, %add3A_197 : i32
      %get3A_199 = arith.index_cast %add3A_198 : i32 to index
      %get3A_200 = arith.constant 32 : index
      %get3A_201 = tpu.vector_load %arg9[%get3A_199, %get3A_200] {strides = array<i32>} : memref<80x64xi32, #tpu.memory_space<vmem>>, vector<16xi32>,
      %add3A_202 = arith.constant 40 : i32
      %add3A_203 = arith.addi %scan3A_105, %add3A_202 : i32
      %get3A_204 = arith.index_cast %add3A_203 : i32 to index
      %get3A_205 = arith.constant 32 : index
      %get3A_206 = tpu.vector_load %arg10[%get3A_204, %get3A_205] {strides = array<i32>} : memref<80x64xi32, #tpu.memory_space<vmem>>, vector<16xi32>,
      %bitcast3A_207 = vector.bitcast %get3A_201 : vector<16xi32> to vector<32xbf16>
      %bitcast3A_208 = vector.bitcast %get3A_206 : vector<16xi32> to vector<32xbf16>
      %add3A_209 = arith.addf %bitcast3A_207, %bitcast3A_208 : vector<32xbf16>
      %bitcast3A_210 = vector.bitcast %add3A_209 : vector<32xbf16> to vector<16xi32>
      %and3A_211 = arith.constant 65535 : i32
      %and3A_212 = vector.broadcast %and3A_211 : i32 to vector<16xi32>
      %and3A_213 = arith.andi %bitcast3A_196, %and3A_212 : vector<16xi32>
      %shift_left3A_214 = arith.constant 16 : i32
      %shift_left3A_215 = vector.broadcast %shift_left3A_214 : i32 to vector<16xi32>
      %shift_left3A_216 = arith.shli %bitcast3A_210, %shift_left3A_215 : vector<16xi32>
      %or3A_217 = arith.ori %and3A_213, %shift_left3A_216 : vector<16xi32>
      %swap3A_218 = arith.index_cast %scan3A_105 : i32 to index
      %swap3A_219 = arith.constant 32 : index
      %swap3A_220 = tpu.vector_load %arg13[%swap3A_218, %swap3A_219] {strides = array<i32>} : memref<40x128xi32, #tpu.memory_space<vmem>>, vector<16xi32>,
      tpu.vector_store %arg13[%swap3A_218, %swap3A_219], %or3A_217 {strides = array<i32>} : memref<40x128xi32, #tpu.memory_space<vmem>>, vector<16xi32>,
      %shift_right_logical3A_221 = arith.constant 16 : i32
      %shift_right_logical3A_222 = vector.broadcast %shift_right_logical3A_221 : i32 to vector<16xi32>
      %shift_right_logical3A_223 = arith.shrui %bitcast3A_196, %shift_right_logical3A_222 : vector<16xi32>
      %and3A_224 = arith.constant -65536 : i32
      %and3A_225 = vector.broadcast %and3A_224 : i32 to vector<16xi32>
      %and3A_226 = arith.andi %bitcast3A_210, %and3A_225 : vector<16xi32>
      %or3A_227 = arith.ori %shift_right_logical3A_223, %and3A_226 : vector<16xi32>
      %swap3A_228 = arith.index_cast %scan3A_105 : i32 to index
      %swap3A_229 = arith.constant 96 : index
      %swap3A_230 = tpu.vector_load %arg13[%swap3A_228, %swap3A_229] {strides = array<i32>} : memref<40x128xi32, #tpu.memory_space<vmem>>, vector<16xi32>,
      tpu.vector_store %arg13[%swap3A_228, %swap3A_229], %or3A_227 {strides = array<i32>} : memref<40x128xi32, #tpu.memory_space<vmem>>, vector<16xi32>,
      %get3A_231 = arith.index_cast %scan3A_105 : i32 to index
      %get3A_232 = arith.constant 48 : index
      %get3A_233 = tpu.vector_load %arg9[%get3A_231, %get3A_232] {strides = array<i32>} : memref<80x64xi32, #tpu.memory_space<vmem>>, vector<16xi32>,
      %get3A_234 = arith.index_cast %scan3A_105 : i32 to index
      %get3A_235 = arith.constant 48 : index
      %get3A_236 = tpu.vector_load %arg10[%get3A_234, %get3A_235] {strides = array<i32>} : memref<80x64xi32, #tpu.memory_space<vmem>>, vector<16xi32>,
      %bitcast3A_237 = vector.bitcast %get3A_233 : vector<16xi32> to vector<32xbf16>
      %bitcast3A_238 = vector.bitcast %get3A_236 : vector<16xi32> to vector<32xbf16>
      %add3A_239 = arith.addf %bitcast3A_237, %bitcast3A_238 : vector<32xbf16>
      %bitcast3A_240 = vector.bitcast %add3A_239 : vector<32xbf16> to vector<16xi32>
      %add3A_241 = arith.constant 40 : i32
      %add3A_242 = arith.addi %scan3A_105, %add3A_241 : i32
      %get3A_243 = arith.index_cast %add3A_242 : i32 to index
      %get3A_244 = arith.constant 48 : index
      %get3A_245 = tpu.vector_load %arg9[%get3A_243, %get3A_244] {strides = array<i32>} : memref<80x64xi32, #tpu.memory_space<vmem>>, vector<16xi32>,
      %add3A_246 = arith.constant 40 : i32
      %add3A_247 = arith.addi %scan3A_105, %add3A_246 : i32
      %get3A_248 = arith.index_cast %add3A_247 : i32 to index
      %get3A_249 = arith.constant 48 : index
      %get3A_250 = tpu.vector_load %arg10[%get3A_248, %get3A_249] {strides = array<i32>} : memref<80x64xi32, #tpu.memory_space<vmem>>, vector<16xi32>,
      %bitcast3A_251 = vector.bitcast %get3A_245 : vector<16xi32> to vector<32xbf16>
      %bitcast3A_252 = vector.bitcast %get3A_250 : vector<16xi32> to vector<32xbf16>
      %add3A_253 = arith.addf %bitcast3A_251, %bitcast3A_252 : vector<32xbf16>
      %bitcast3A_254 = vector.bitcast %add3A_253 : vector<32xbf16> to vector<16xi32>
      %and3A_255 = arith.constant 65535 : i32
      %and3A_256 = vector.broadcast %and3A_255 : i32 to vector<16xi32>
      %and3A_257 = arith.andi %bitcast3A_240, %and3A_256 : vector<16xi32>
      %shift_left3A_258 = arith.constant 16 : i32
      %shift_left3A_259 = vector.broadcast %shift_left3A_258 : i32 to vector<16xi32>
      %shift_left3A_260 = arith.shli %bitcast3A_254, %shift_left3A_259 : vector<16xi32>
      %or3A_261 = arith.ori %and3A_257, %shift_left3A_260 : vector<16xi32>
      %swap3A_262 = arith.index_cast %scan3A_105 : i32 to index
      %swap3A_263 = arith.constant 48 : index
      %swap3A_264 = tpu.vector_load %arg13[%swap3A_262, %swap3A_263] {strides = array<i32>} : memref<40x128xi32, #tpu.memory_space<vmem>>, vector<16xi32>,
      tpu.vector_store %arg13[%swap3A_262, %swap3A_263], %or3A_261 {strides = array<i32>} : memref<40x128xi32, #tpu.memory_space<vmem>>, vector<16xi32>,
      %shift_right_logical3A_265 = arith.constant 16 : i32
      %shift_right_logical3A_266 = vector.broadcast %shift_right_logical3A_265 : i32 to vector<16xi32>
      %shift_right_logical3A_267 = arith.shrui %bitcast3A_240, %shift_right_logical3A_266 : vector<16xi32>
      %and3A_268 = arith.constant -65536 : i32
      %and3A_269 = vector.broadcast %and3A_268 : i32 to vector<16xi32>
      %and3A_270 = arith.andi %bitcast3A_254, %and3A_269 : vector<16xi32>
      %or3A_271 = arith.ori %shift_right_logical3A_267, %and3A_270 : vector<16xi32>
      %swap3A_272 = arith.index_cast %scan3A_105 : i32 to index
      %swap3A_273 = arith.constant 112 : index
      %swap3A_274 = tpu.vector_load %arg13[%swap3A_272, %swap3A_273] {strides = array<i32>} : memref<40x128xi32, #tpu.memory_space<vmem>>, vector<16xi32>,
      tpu.vector_store %arg13[%swap3A_272, %swap3A_273], %or3A_271 {strides = array<i32>} : memref<40x128xi32, #tpu.memory_space<vmem>>, vector<16xi32>,
    }
    %scan3A_87 = arith.constant 40 : i32
    %add3A_88 = arith.constant 4000 : i32
    %add3A_89 = arith.addi %multiple_of3A_5, %add3A_88 : i32
    %add3A_90 = arith.constant 960 : i32
    %add3A_91 = arith.addi %add3A_89, %add3A_90 : i32
    %multiple_of3A_92 = tpu.assume_multiple %add3A_91, 8 : i32
    %dma_start3A_93 = arith.constant 0 : i32
    %dma_start3A_94 = tpu.memref_slice %arg6[%multiple_of3A_92, %dma_start3A_93] : memref<160000x128xi32, #tpu.memory_space<hbm>> -> memref<40x128xi32, #tpu.memory_space<hbm>>
    %dma_start3A_95 = arith.constant 0 : i32
    %dma_start3A_96 = tpu.memref_slice %arg6[%multiple_of3A_92, %dma_start3A_95] : memref<160000x128xi32, #tpu.memory_space<hbm>> -> memref<40x128xi32, #tpu.memory_space<hbm>>
    tpu.enqueue_dma source(%arg13 : memref<40x128xi32, #tpu.memory_space<vmem>>) target(%dma_start3A_96 : memref<40x128xi32, #tpu.memory_space<hbm>>) target_semaphore(%arg17 : memref<!tpu.dma_semaphore, #tpu.memory_space<semaphore_mem>>)
    %dma_wait3A_97 = arith.constant 0 : i32
    %dma_wait3A_98 = tpu.memref_slice %arg6[%multiple_of3A_5, %dma_wait3A_97] : memref<160000x128xi32, #tpu.memory_space<hbm>> -> memref<40x128xi32, #tpu.memory_space<hbm>>
    %dma_wait3A_99 = arith.constant 0 : i32
    %dma_wait3A_100 = tpu.memref_slice %arg6[%multiple_of3A_5, %dma_wait3A_99] : memref<160000x128xi32, #tpu.memory_space<hbm>> -> memref<40x128xi32, #tpu.memory_space<hbm>>
    tpu.wait_dma2 semaphore(%arg17 : memref<!tpu.dma_semaphore, #tpu.memory_space<semaphore_mem>>) src(%arg13 : memref<40x128xi32, #tpu.memory_space<vmem>>) dst(%dma_wait3A_100 : memref<40x128xi32, #tpu.memory_space<hbm>>)
    %dma_wait3A_101 = arith.constant 0 : i32
    %dma_wait3A_102 = tpu.memref_slice %arg6[%multiple_of3A_5, %dma_wait3A_101] : memref<160000x128xi32, #tpu.memory_space<hbm>> -> memref<40x128xi32, #tpu.memory_space<hbm>>
    %dma_wait3A_103 = arith.constant 0 : i32
    %dma_wait3A_104 = tpu.memref_slice %arg6[%multiple_of3A_5, %dma_wait3A_103] : memref<160000x128xi32, #tpu.memory_space<hbm>> -> memref<40x128xi32, #tpu.memory_space<hbm>>
    tpu.wait_dma2 semaphore(%arg18 : memref<!tpu.dma_semaphore, #tpu.memory_space<semaphore_mem>>) src(%arg14 : memref<40x128xi32, #tpu.memory_space<vmem>>) dst(%dma_wait3A_104 : memref<40x128xi32, #tpu.memory_space<hbm>>)
    return
  }
}

module attributes {stable_mosaic.version = 14 : i64} {
  func.func @_proj_body(%arg0: i32, %arg1: memref<2000x128xf32, #tpu.memory_space<vmem>>, %arg2: memref<128x128xf32, #tpu.memory_space<vmem>>, %arg3: memref<128x128xf32, #tpu.memory_space<vmem>>, %arg4: memref<2000x64xi32, #tpu.memory_space<vmem>>, %arg5: memref<2000x64xi32, #tpu.memory_space<vmem>>) attributes {dimension_semantics = [#tpu.dimension_semantics<parallel>], iteration_bounds = array<i64: 5>, scalar_prefetch = 0 : i64, scratch_operands = 0 : i64, tpu.core_type = #tpu.core_type<tc>, window_params = [{transform_indices = @transform_0, window_bounds = array<i64: 2000, 128>}, {pipeline_mode = #tpu.pipeline_mode<synchronous>, transform_indices = @transform_1, window_bounds = array<i64: 128, 128>}, {pipeline_mode = #tpu.pipeline_mode<synchronous>, transform_indices = @transform_2, window_bounds = array<i64: 128, 128>}, {transform_indices = @transform_3, window_bounds = array<i64: 2000, 64>}, {transform_indices = @transform_4, window_bounds = array<i64: 2000, 64>}]} {
    %get3A = arith.constant 0 : index
    %get3A_0 = arith.constant 0 : index
    %get3A_1 = vector.load %arg1[%get3A, %get3A_0] : memref<2000x128xf32, #tpu.memory_space<vmem>>, vector<2000x128xf32>
    %get3A_2 = arith.constant 0 : index
    %get3A_3 = arith.constant 0 : index
    %get3A_4 = vector.load %arg2[%get3A_2, %get3A_3] : memref<128x128xf32, #tpu.memory_space<vmem>>, vector<128x128xf32>
    %dot_general3A = arith.constant dense<0.000000e+00> : vector<2000x128xf32>
    %dot_general3A_5 = tpu.matmul %get3A_1, %get3A_4, %dot_general3A {dimension_numbers = #tpu.dot_dimension_numbers<[1], [0], [0], [1], [0, 0, 1, 1], [], []>, transpose_lhs_hint = false} : vector<2000x128xf32>, vector<128x128xf32>, vector<2000x128xf32> -> vector<2000x128xf32>
    %slice3A = vector.extract_strided_slice %dot_general3A_5 {offsets = [0, 0], sizes = [2000, 64], strides = [1, 1]} : vector<2000x128xf32> to vector<2000x64xf32>
    %bitcast_convert_type3A = tpu.bitcast %slice3A : vector<2000x64xf32> -> vector<2000x64xi32>
    %slice3A_6 = vector.extract_strided_slice %dot_general3A_5 {offsets = [0, 64], sizes = [2000, 64], strides = [1, 1]} : vector<2000x128xf32> to vector<2000x64xf32>
    %bitcast_convert_type3A_7 = tpu.bitcast %slice3A_6 : vector<2000x64xf32> -> vector<2000x64xi32>
    %shift_right_logical3A = arith.constant 16 : i32
    %shift_right_logical3A_8 = vector.broadcast %shift_right_logical3A : i32 to vector<2000x64xi32>
    %shift_right_logical3A_9 = arith.shrui %bitcast_convert_type3A, %shift_right_logical3A_8 : vector<2000x64xi32>
    %and3A = arith.constant 1 : i32
    %and3A_10 = vector.broadcast %and3A : i32 to vector<2000x64xi32>
    %and3A_11 = arith.andi %shift_right_logical3A_9, %and3A_10 : vector<2000x64xi32>
    %add3A = arith.constant 32767 : i32
    %add3A_12 = vector.broadcast %add3A : i32 to vector<2000x64xi32>
    %add3A_13 = arith.addi %add3A_12, %and3A_11 : vector<2000x64xi32>
    %add3A_14 = arith.addi %bitcast_convert_type3A, %add3A_13 : vector<2000x64xi32>
    %shift_right_logical3A_15 = arith.constant 16 : i32
    %shift_right_logical3A_16 = vector.broadcast %shift_right_logical3A_15 : i32 to vector<2000x64xi32>
    %shift_right_logical3A_17 = arith.shrui %add3A_14, %shift_right_logical3A_16 : vector<2000x64xi32>
    %shift_right_logical3A_18 = arith.constant 16 : i32
    %shift_right_logical3A_19 = vector.broadcast %shift_right_logical3A_18 : i32 to vector<2000x64xi32>
    %shift_right_logical3A_20 = arith.shrui %bitcast_convert_type3A_7, %shift_right_logical3A_19 : vector<2000x64xi32>
    %and3A_21 = arith.constant 1 : i32
    %and3A_22 = vector.broadcast %and3A_21 : i32 to vector<2000x64xi32>
    %and3A_23 = arith.andi %shift_right_logical3A_20, %and3A_22 : vector<2000x64xi32>
    %add3A_24 = arith.constant 32767 : i32
    %add3A_25 = vector.broadcast %add3A_24 : i32 to vector<2000x64xi32>
    %add3A_26 = arith.addi %add3A_25, %and3A_23 : vector<2000x64xi32>
    %add3A_27 = arith.addi %bitcast_convert_type3A_7, %add3A_26 : vector<2000x64xi32>
    %and3A_28 = arith.constant -65536 : i32
    %and3A_29 = vector.broadcast %and3A_28 : i32 to vector<2000x64xi32>
    %and3A_30 = arith.andi %add3A_27, %and3A_29 : vector<2000x64xi32>
    %or3A = arith.ori %shift_right_logical3A_17, %and3A_30 : vector<2000x64xi32>
    %swap3A = arith.constant 0 : index
    %swap3A_31 = arith.constant 0 : index
    %swap3A_32 = vector.load %arg4[%swap3A, %swap3A_31] : memref<2000x64xi32, #tpu.memory_space<vmem>>, vector<2000x64xi32>
    tpu.vector_store %arg4[%swap3A, %swap3A_31], %or3A {strides = array<i32>} : memref<2000x64xi32, #tpu.memory_space<vmem>>, vector<2000x64xi32>,
    %get3A_33 = arith.constant 0 : index
    %get3A_34 = arith.constant 0 : index
    %get3A_35 = vector.load %arg3[%get3A_33, %get3A_34] : memref<128x128xf32, #tpu.memory_space<vmem>>, vector<128x128xf32>
    %dot_general3A_36 = arith.constant dense<0.000000e+00> : vector<2000x128xf32>
    %dot_general3A_37 = tpu.matmul %get3A_1, %get3A_35, %dot_general3A_36 {dimension_numbers = #tpu.dot_dimension_numbers<[1], [0], [0], [1], [0, 0, 1, 1], [], []>, transpose_lhs_hint = false} : vector<2000x128xf32>, vector<128x128xf32>, vector<2000x128xf32> -> vector<2000x128xf32>
    %slice3A_38 = vector.extract_strided_slice %dot_general3A_37 {offsets = [0, 0], sizes = [2000, 64], strides = [1, 1]} : vector<2000x128xf32> to vector<2000x64xf32>
    %bitcast_convert_type3A_39 = tpu.bitcast %slice3A_38 : vector<2000x64xf32> -> vector<2000x64xi32>
    %slice3A_40 = vector.extract_strided_slice %dot_general3A_37 {offsets = [0, 64], sizes = [2000, 64], strides = [1, 1]} : vector<2000x128xf32> to vector<2000x64xf32>
    %bitcast_convert_type3A_41 = tpu.bitcast %slice3A_40 : vector<2000x64xf32> -> vector<2000x64xi32>
    %shift_right_logical3A_42 = arith.constant 16 : i32
    %shift_right_logical3A_43 = vector.broadcast %shift_right_logical3A_42 : i32 to vector<2000x64xi32>
    %shift_right_logical3A_44 = arith.shrui %bitcast_convert_type3A_39, %shift_right_logical3A_43 : vector<2000x64xi32>
    %and3A_45 = arith.constant 1 : i32
    %and3A_46 = vector.broadcast %and3A_45 : i32 to vector<2000x64xi32>
    %and3A_47 = arith.andi %shift_right_logical3A_44, %and3A_46 : vector<2000x64xi32>
    %add3A_48 = arith.constant 32767 : i32
    %add3A_49 = vector.broadcast %add3A_48 : i32 to vector<2000x64xi32>
    %add3A_50 = arith.addi %add3A_49, %and3A_47 : vector<2000x64xi32>
    %add3A_51 = arith.addi %bitcast_convert_type3A_39, %add3A_50 : vector<2000x64xi32>
    %shift_right_logical3A_52 = arith.constant 16 : i32
    %shift_right_logical3A_53 = vector.broadcast %shift_right_logical3A_52 : i32 to vector<2000x64xi32>
    %shift_right_logical3A_54 = arith.shrui %add3A_51, %shift_right_logical3A_53 : vector<2000x64xi32>
    %shift_right_logical3A_55 = arith.constant 16 : i32
    %shift_right_logical3A_56 = vector.broadcast %shift_right_logical3A_55 : i32 to vector<2000x64xi32>
    %shift_right_logical3A_57 = arith.shrui %bitcast_convert_type3A_41, %shift_right_logical3A_56 : vector<2000x64xi32>
    %and3A_58 = arith.constant 1 : i32
    %and3A_59 = vector.broadcast %and3A_58 : i32 to vector<2000x64xi32>
    %and3A_60 = arith.andi %shift_right_logical3A_57, %and3A_59 : vector<2000x64xi32>
    %add3A_61 = arith.constant 32767 : i32
    %add3A_62 = vector.broadcast %add3A_61 : i32 to vector<2000x64xi32>
    %add3A_63 = arith.addi %add3A_62, %and3A_60 : vector<2000x64xi32>
    %add3A_64 = arith.addi %bitcast_convert_type3A_41, %add3A_63 : vector<2000x64xi32>
    %and3A_65 = arith.constant -65536 : i32
    %and3A_66 = vector.broadcast %and3A_65 : i32 to vector<2000x64xi32>
    %and3A_67 = arith.andi %add3A_64, %and3A_66 : vector<2000x64xi32>
    %or3A_68 = arith.ori %shift_right_logical3A_54, %and3A_67 : vector<2000x64xi32>
    %swap3A_69 = arith.constant 0 : index
    %swap3A_70 = arith.constant 0 : index
    %swap3A_71 = vector.load %arg5[%swap3A_69, %swap3A_70] : memref<2000x64xi32, #tpu.memory_space<vmem>>, vector<2000x64xi32>
    tpu.vector_store %arg5[%swap3A_69, %swap3A_70], %or3A_68 {strides = array<i32>} : memref<2000x64xi32, #tpu.memory_space<vmem>>, vector<2000x64xi32>,
    return
  }
  func.func @transform_0(%arg0: i32) -> (i32, i32) {
    %c0_i32 = arith.constant 0 : i32
    %c0_i32_0 = arith.constant 0 : i32
    return %arg0, %c0_i32 : i32, i32
  }
  func.func @transform_1(%arg0: i32) -> (i32, i32) {
    %c0_i32 = arith.constant 0 : i32
    %c0_i32_0 = arith.constant 0 : i32
    %c0_i32_1 = arith.constant 0 : i32
    return %c0_i32, %c0_i32_0 : i32, i32
  }
  func.func @transform_2(%arg0: i32) -> (i32, i32) {
    %c0_i32 = arith.constant 0 : i32
    %c0_i32_0 = arith.constant 0 : i32
    %c0_i32_1 = arith.constant 0 : i32
    return %c0_i32, %c0_i32_0 : i32, i32
  }
  func.func @transform_3(%arg0: i32) -> (i32, i32) {
    %c0_i32 = arith.constant 0 : i32
    %c0_i32_0 = arith.constant 0 : i32
    return %arg0, %c0_i32 : i32, i32
  }
  func.func @transform_4(%arg0: i32) -> (i32, i32) {
    %c0_i32 = arith.constant 0 : i32
    %c0_i32_0 = arith.constant 0 : i32
    return %arg0, %c0_i32 : i32, i32
  }
}

module attributes {stable_mosaic.version = 14 : i64} {
  func.func @_final_body(%arg0: i32, %arg1: memref<1000x128xi32, #tpu.memory_space<vmem>>, %arg2: memref<2000x16xf32, #tpu.memory_space<vmem>>, %arg3: memref<16x128xf32, #tpu.memory_space<vmem>>, %arg4: memref<1x128xf32, #tpu.memory_space<vmem>>, %arg5: memref<2000x128xf32, #tpu.memory_space<vmem>>) attributes {dimension_semantics = [#tpu.dimension_semantics<parallel>], iteration_bounds = array<i64: 160>, scalar_prefetch = 0 : i64, scratch_operands = 0 : i64, tpu.core_type = #tpu.core_type<tc>, window_params = [{transform_indices = @transform_0, window_bounds = array<i64: 1000, 128>}, {transform_indices = @transform_1, window_bounds = array<i64: 2000, 16>}, {pipeline_mode = #tpu.pipeline_mode<synchronous>, transform_indices = @transform_2, window_bounds = array<i64: 16, 128>}, {pipeline_mode = #tpu.pipeline_mode<synchronous>, transform_indices = @transform_3, window_bounds = array<i64: 1, 128>}, {transform_indices = @transform_4, window_bounds = array<i64: 2000, 128>}]} {
    %get3A = arith.constant 0 : index
    %get3A_0 = arith.constant 0 : index
    %get3A_1 = vector.load %arg1[%get3A, %get3A_0] : memref<1000x128xi32, #tpu.memory_space<vmem>>, vector<1000x128xi32>
    %shift_left3A = arith.constant 16 : i32
    %shift_left3A_2 = vector.broadcast %shift_left3A : i32 to vector<1000x128xi32>
    %shift_left3A_3 = arith.shli %get3A_1, %shift_left3A_2 : vector<1000x128xi32>
    %bitcast_convert_type3A = tpu.bitcast %shift_left3A_3 : vector<1000x128xi32> -> vector<1000x128xf32>
    %and3A = arith.constant -65536 : i32
    %and3A_4 = vector.broadcast %and3A : i32 to vector<1000x128xi32>
    %and3A_5 = arith.andi %get3A_1, %and3A_4 : vector<1000x128xi32>
    %bitcast_convert_type3A_6 = tpu.bitcast %and3A_5 : vector<1000x128xi32> -> vector<1000x128xf32>
    %concatenate3A = tpu.concatenate %bitcast_convert_type3A, %bitcast_convert_type3A_6 in 0 : vector<1000x128xf32>, vector<1000x128xf32> -> vector<2000x128xf32>
    %get3A_7 = arith.constant 0 : index
    %get3A_8 = arith.constant 0 : index
    %get3A_9 = vector.load %arg2[%get3A_7, %get3A_8] : memref<2000x16xf32, #tpu.memory_space<vmem>>, vector<2000x16xf32>
    %get3A_10 = arith.constant 0 : index
    %get3A_11 = arith.constant 0 : index
    %get3A_12 = vector.load %arg3[%get3A_10, %get3A_11] : memref<16x128xf32, #tpu.memory_space<vmem>>, vector<16x128xf32>
    %dot_general3A = arith.constant dense<0.000000e+00> : vector<2000x128xf32>
    %dot_general3A_13 = tpu.matmul %get3A_9, %get3A_12, %dot_general3A {dimension_numbers = #tpu.dot_dimension_numbers<[1], [0], [0], [1], [0, 0, 1, 1], [], []>, transpose_lhs_hint = false} : vector<2000x16xf32>, vector<16x128xf32>, vector<2000x128xf32> -> vector<2000x128xf32>
    %add3A = arith.addf %concatenate3A, %dot_general3A_13 : vector<2000x128xf32>
    %get3A_14 = arith.constant 0 : index
    %get3A_15 = arith.constant 0 : index
    %get3A_16 = vector.load %arg4[%get3A_14, %get3A_15] : memref<1x128xf32, #tpu.memory_space<vmem>>, vector<1x128xf32>
    %add3A_17 = vector.broadcast %get3A_16 : vector<1x128xf32> to vector<2000x128xf32>
    %add3A_18 = arith.addf %add3A, %add3A_17 : vector<2000x128xf32>
    %swap3A = arith.constant 0 : index
    %swap3A_19 = arith.constant 0 : index
    %swap3A_20 = vector.load %arg5[%swap3A, %swap3A_19] : memref<2000x128xf32, #tpu.memory_space<vmem>>, vector<2000x128xf32>
    tpu.vector_store %arg5[%swap3A, %swap3A_19], %add3A_18 {strides = array<i32>} : memref<2000x128xf32, #tpu.memory_space<vmem>>, vector<2000x128xf32>,
    return
  }
  func.func @transform_0(%arg0: i32) -> (i32, i32) {
    %c0_i32 = arith.constant 0 : i32
    %c0_i32_0 = arith.constant 0 : i32
    return %arg0, %c0_i32 : i32, i32
  }
  func.func @transform_1(%arg0: i32) -> (i32, i32) {
    %c0_i32 = arith.constant 0 : i32
    %c0_i32_0 = arith.constant 0 : i32
    return %arg0, %c0_i32 : i32, i32
  }
  func.func @transform_2(%arg0: i32) -> (i32, i32) {
    %c0_i32 = arith.constant 0 : i32
    %c0_i32_0 = arith.constant 0 : i32
    %c0_i32_1 = arith.constant 0 : i32
    return %c0_i32, %c0_i32_0 : i32, i32
  }
  func.func @transform_3(%arg0: i32) -> (i32, i32) {
    %c0_i32 = arith.constant 0 : i32
    %c0_i32_0 = arith.constant 0 : i32
    %c0_i32_1 = arith.constant 0 : i32
    return %c0_i32, %c0_i32_0 : i32, i32
  }
  func.func @transform_4(%arg0: i32) -> (i32, i32) {
    %c0_i32 = arith.constant 0 : i32
    %c0_i32_0 = arith.constant 0 : i32
    return %arg0, %c0_i32 : i32, i32
  }
}

</mosaic_0001>

<sc_bundles>
// kernel: kernel.5.cloned.1.call-start
scs
__scs_entry_jumppad:
0x0: {  	(pc) =	sbr.rel $0x88, $3  }
0x1: {  	(tag) =	ssettag $0x0;
	lr =	simm.s32 $0x1  }
0x2: {  	[smem:$0x3F9C] =	sst lr;
	_ =	strace $0xD0000000  }
0x3: {  	_ = 	snop  }
0x4: {  	_ = 	snop  }
0x5: {  	_ = 	snop  }
0x6: {  	_ = 	snop  }
0x7: {  	_ = 	snop  }
__scs_overlays_trampoline_lowered:
0x8: {  	[smem:$0x3FAB] =	sst s0  }
0x9: {  	[smem:$0x3FAC] =	sst s1  }
0xa: {  	[smem:$0x3FAD] =	sst s2  }
0xb: {  	[smem:$0x3FAE] =	sst s3  }
0xc: {  	[smem:$0x3FAF] =	sst s4  }
0xd: {  	[smem:$0x3FB0] =	sst s5  }
0xe: {  	[smem:$0x3FB1] =	sst s6  }
0xf: {  	[smem:$0x3FB2] =	sst s7  }
0x10: {  	[smem:$0x3FB3] =	sst s8  }
0x11: {  	[smem:$0x3FB4] =	sst s9;
	s0 =	simm.s32 @!p0 $0x0  }
0x12: {  	s1 =	sld [smem:$0x3F9A];
	s0 =	simm.s32 @p0 $0x1  }
0x13: {  	[smem:$0x3FB5] =	sst s0;
	s0 =	simm.s32 @!p1 $0x0  }
0x14: {  	s2 =	sld [smem:$0x3F99];
	s0 =	simm.s32 @p1 $0x1  }
0x15: {  	[smem:$0x3FB6] =	sst s0;
	s0 =	simm.s32 @!p2 $0x0  }
0x16: {  	s3 =	sld [smem:$0x3FDB];
	s0 =	simm.s32 @p2 $0x1  }
0x17: {  	s4 =	simm.s32 $0x1BF5;
	[smem:$0x3FB8] =	sst s0  }
0x18: {  	s0 =	sld [smem:$0x3F9B];
	_ =	swait.ge [sflag:s4], $0x0  }
0x19: {  	s7 =	sld [smem:$0x3F9C]  }
0x1a: {  	s8 =	sadd.s32 $0xFFFFE003, lr  }
0x1b: {  	s9 =	sadd.s32 $0xFFFFFEF7, lr;
	s5 =	simm.s32 $0xFFFFFFFF;
	p2 =	slt.u32 s8, $0xFFFFF086  }
0x1c: {  	p1 =	slt.u32 s9, $0xF7A;
	s5 =	simm.s32 @!p2 $0x0  }
0x1d: {  	s5 =	simm.s32 @p1 $0x1;
	p0 =	seq.s32 s7, s2  }
0x1e: {  	s7 =	smul.u32 @!p0 $0xF7A, s2;
	p2 =	seq.s32 @!p0 s5, $0x0  }
0x1f: {  	s9 =	smul.u32 $0xF7A, s1;
	s8 =	simm.s32 @!p0 $0x1BF5;
	p2 =	por !p2, p0  }
0x20: {  	[sflag:s8] =	ssyncset.s32 @!p0 $0xFFFFF086;
	s6 =	sadd.s32 @!p0 s3, s7;
	s7 =	simm.s32 @!p0 $0x108  }
0x21: {  	s3 =	sadd.s32 s3, s9;
	s6 =	sadd.s32 @!p0 $0x88, s6;
	s7 =	simm.s32 @p2 $0x1082  }
0x22: {  	[simem:s7], [sflag:s8] =	dma.local @!p0 [hbm:s6], $0xF7A  }
0x23: {  	s9 =	sor.u32 $0xD0000000, s2;
	s6 =	simm.s32 $0x108;
	_ =	swait.ge @!p0 [sflag:s8], $0x0  }
0x24: {  	s3 =	sadd.s32 $0x88, s3;
	s6 =	simm.s32 @!p1 $0x1082;
	[sflag:s4] =	ssyncset.s32 $0xFFFFF086  }
0x25: {  	[simem:s6], [sflag:s4] =	dma.local [hbm:s3], $0xF7A  }
0x26: {  	[smem:$0x3F9C] =	sst s1;
	(tag) =	ssettag s2;
	_ =	strace s9  }
0x27: {  	s1 =	sld [smem:$0x3FAC]  }
0x28: {  	s2 =	sld [smem:$0x3FAD]  }
0x29: {  	s4 =	sld [smem:$0x3FAF]  }
0x2a: {  	p0 =	seq.s32 s5, $0x0;
	s5 =	sld [smem:$0x3FB0]  }
0x2b: {  	s6 =	sld [smem:$0x3FB1]  }
0x2c: {  	s7 =	sld [smem:$0x3FB2]  }
0x2d: {  	s3 =	simm.s32 $0x108;
	s8 =	sld [smem:$0x3FB3]  }
0x2e: {  	s3 =	simm.s32 @!p0 $0x1082;
	s9 =	sld [smem:$0x3FB4]  }
0x2f: {  	lr =	sadd.s32 s0, s3;
	s0 =	sld [smem:$0x3FAB]  }
0x30: {  	s3 =	sld [smem:$0x3FAE]  }
0x31: {  	[smem:$0x3FB7] =	sst s10  }
0x32: {  	s10 =	sld [smem:$0x3FB5];
	_ =	sdelay $0x3  }
0x33: {  	p0 =	seq.s32 s10, $0x1;
	s10 =	sld [smem:$0x3FB7];
	_ =	sdelay $0x3  }
0x34: {  	[smem:$0x3FB7] =	sst s10  }
0x35: {  	s10 =	sld [smem:$0x3FB6];
	_ =	sdelay $0x3  }
0x36: {  	p1 =	seq.s32 s10, $0x1;
	s10 =	sld [smem:$0x3FB7];
	_ =	sdelay $0x3  }
0x37: {  	[smem:$0x3FB7] =	sst s10  }
0x38: {  	s10 =	sld [smem:$0x3FB8]  }
0x39: {  	_ = 	snop;
	(pc) =	sbr.ind lr, $3  }
0x3a: {  	_ = 	snop  }
0x3b: {  	_ = 	snop  }
0x3c: {  	p2 =	seq.s32 s10, $0x1;
	s10 =	sld [smem:$0x3FB7]  }
0x3d: {  	_ =	shalt  }
0x3e: {  	_ =	shalt  }
0x3f: {  	_ =	shalt  }
0x40: {  	_ =	shalt  }
0x41: {  	_ =	shalt  }
0x42: {  	_ =	shalt  }
0x43: {  	_ =	shalt  }
0x44: {  	_ =	shalt  }
0x45: {  	_ =	shalt  }
0x46: {  	_ =	shalt  }
0x47: {  	_ =	shalt  }
0x48: {  	_ =	shalt  }
0x49: {  	_ =	shalt  }
0x4a: {  	_ =	shalt  }
0x4b: {  	_ =	shalt  }
0x4c: {  	_ =	shalt  }
0x4d: {  	_ =	shalt  }
0x4e: {  	_ =	shalt  }
0x4f: {  	_ =	shalt  }
0x50: {  	_ =	shalt  }
0x51: {  	_ =	shalt  }
0x52: {  	_ =	shalt  }
0x53: {  	_ =	shalt  }
0x54: {  	_ =	shalt  }
0x55: {  	_ =	shalt  }
0x56: {  	_ =	shalt  }
0x57: {  	_ =	shalt  }
0x58: {  	_ =	shalt  }
0x59: {  	_ =	shalt  }
0x5a: {  	_ =	shalt  }
0x5b: {  	_ =	shalt  }
0x5c: {  	_ =	shalt  }
0x5d: {  	_ =	shalt  }
0x5e: {  	_ =	shalt  }
0x5f: {  	_ =	shalt  }
0x60: {  	_ =	shalt  }
0x61: {  	_ =	shalt  }
0x62: {  	_ =	shalt  }
0x63: {  	_ =	shalt  }
0x64: {  	_ =	shalt  }
0x65: {  	_ =	shalt  }
0x66: {  	_ =	shalt  }
0x67: {  	_ =	shalt  }
0x68: {  	_ =	shalt  }
0x69: {  	_ =	shalt  }
0x6a: {  	_ =	shalt  }
0x6b: {  	_ =	shalt  }
0x6c: {  	_ =	shalt  }
0x6d: {  	_ =	shalt  }
0x6e: {  	_ =	shalt  }
0x6f: {  	_ =	shalt  }
0x70: {  	_ =	shalt  }
0x71: {  	_ =	shalt  }
0x72: {  	_ =	shalt  }
0x73: {  	_ =	shalt  }
0x74: {  	_ =	shalt  }
0x75: {  	_ =	shalt  }
0x76: {  	_ =	shalt  }
0x77: {  	_ =	shalt  }
0x78: {  	_ =	shalt  }
0x79: {  	_ =	shalt  }
0x7a: {  	_ =	shalt  }
0x7b: {  	_ =	shalt  }
0x7c: {  	_ =	shalt  }
0x7d: {  	_ =	shalt  }
0x7e: {  	_ =	shalt  }
0x7f: {  	_ =	shalt  }
0x80: {  	_ =	shalt  }
0x81: {  	_ =	shalt  }
0x82: {  	_ =	shalt  }
0x83: {  	_ =	shalt  }
0x84: {  	_ =	shalt  }
0x85: {  	_ =	shalt  }
0x86: {  	_ =	shalt  }
0x87: {  	_ =	shalt  }
.Lfunc_end0:
.L_simem_size_0:
called_computation_lowered:
.L_overlay_start_0:
0x88: {  	s2 =	sld [smem:$0x3FD9]  }
0x89: {  	s3 =	sld [smem:$0x3FFE];
	_ =	sdelay $0x1  }
0x8a: {  	s1 =	srdreg.scid  }
0x8b: {  	s0 =	sand.u32 $0x1, s1  }
0x8c: {  	s17 =	sshll.u32 s0, $0xA;
	s2 =	sadd.s32 s3, s2  }
0x8d: {  	s2 =	sadd.s32 s2, s17  }
0x8e: {  	[smem:$0x3FC3] =	sst s2  }
0x8f: {  	_ = 	snop  }
0x90: {  	s2 =	sld [smem:$0x3FD0];
	(tm) =	ssettm $0x1  }
0x91: {  	s18 =	sld [smem:$0x3FFB];
	_ =	sdelay $0x3  }
0x92: {  	_ =	strace s18  }
0x93: {  	s3 =	sld [smem:$0x3FFC];
	_ =	sdelay $0x3  }
0x94: {  	_ =	strace s3  }
0x95: {  	s3 =	sld [smem:$0x3FFD];
	_ =	sdelay $0x3  }
0x96: {  	_ =	strace s3  }
0x97: {  	_ =	strace $0x8FFFFFFF  }
0x98: {  	s19 =	sld [smem:$0x3FDB];
	_ =	sdelay $0x1  }
0x99: {  	s4 =	simm.s32 $_scs_section_size  }
0x9a: {  	s5 =	simm.s32 $_size__tile_overlayer_lowered;
	s6 =	simm.s32 $_tile_overlayer_lowered  }
0x9b: {  	s22 =	simm.s32 $0x1BFF;
	s21 =	sshll.u32 s6, $0x1;
	s3 =	sadd.s32 s4, s19  }
0x9c: {  	s7 =	simm.s32 $0x0;
	s20 =	sshll.u32 s5, $0x1;
	s5 =	sadd.s32 s21, s3  }
0x9d: {  	[timem:s7], [sflag:s22] =	dma.local [hbm:s5], s20  }
0x9e: {  	_ =	swait.ge [sflag:s22], s20  }
0x9f: {  	s4 =	ssub.s32 $0x0, s20;
	[sflag:s22] =	ssyncset.done $0x0  }
0xa0: {  	[sflag:s22] =	ssyncadd.s32 s4;
	_ =	sdelay $0x1  }
0xa1: {  	s23 =	simm.s32 $0x1B8B  }
0xa2: {  	_ =	swait.ge [sflag:s23], $0x1  }
0xa3: {  	[sflag:s23] =	ssyncset.done $0x0  }
0xa4: {  	s25 =	simm.s32 $0x1B8E;
	s24 =	sld [smem:$0x3FFE];
	[sflag:s23] =	ssyncadd.s32 $0xFFFFFFFF  }
0xa5: {  	s26 =	simm.s32 $execute0_lowered;
	[smem:$0x3FD2] =	sst s25  }
0xa6: {  	s5 =	sshll.u32 s26, $0x1;
	_ =	strace $0x80000046;
	[dreg:$0x1] =	wrdreg $0xFFFFFFFF  }
0xa7: {  	s28 =	simm.s32 $_size_execute0_lowered;
	s3 =	sadd.s32 s3, s5;
	[dreg:$0x0] =	wrdreg $0x0  }
0xa8: {  	s5 =	sshll.u32 s28, $0x1;
	[dreg:$0x2] =	wrdreg s3  }
0xa9: {  	[dreg:$0x3] =	wrdreg s5  }
0xaa: {  	[dreg:$0x4] =	wrdreg $0xC0  }
0xab: {  	_ =	task [dreg:s7], $0x5FFFF  }
0xac: {  	[dreg:$0x1] =	wrdreg $0xFFFFFFFF  }
0xad: {  	[dreg:$0x0] =	wrdreg $0x60  }
0xae: {  	[dreg:$0x2] =	wrdreg s2  }
0xaf: {  	[dreg:$0x3] =	wrdreg s24  }
0xb0: {  	[dreg:$0x4] =	wrdreg $0x9  }
0xb1: {  	_ =	task.clear_ibuf [dreg:s7], $0x5FFFF;
	_ =	strace $0x90000046  }
0xb2: {  	s29 =	simm.s32 $0x9;
	_ =	strace $0x80000048  }
0xb3: {  	_ =	swait.ge [sflag:s29], $0x1  }
0xb4: {  	[sflag:s29] =	ssyncadd.s32 $0xFFFFFFFF  }
0xb5: {  	_ =	strace $0x90000048  }
0xb6: {  	_ =	sfence  }
0xb7: {  	s30 =	sld [smem:$0x0];
	_ =	sdelay $0x2  }
0xb8: {  	s31 =	sshll.u32 s1, $0xD;
	s1 =	sshrl.u32 s1, $0x2  }
0xb9: {  	s3 =	sand.u32 $0x4000, s31;
	s1 =	sadd.s32 s1, s30  }
0xba: {  	s0 =	sor.u32 s3, s0;
	s1 =	sshll.u32 s1, $0x11  }
0xbb: {  	s0 =	sor.u32 s1, s0  }
0xbc: {  	s0 =	sadd.s32 $0x8F2B, s0  }
0xbd: {  	[sflag:s0] =	ssyncadd.remote.s32 $0x1  }
0xbe: {  	_ =	sfence.sel $0xFFFF  }
0xbf: {  	[dreg:$0x0] =	wrdreg $0xFFFFFFFF;
	(pc) =	sbr.abs _section_cstart, $3  }
0xc0: {  	[dreg:$0x1] =	wrdreg $0xFFFFFFFF  }
0xc1: {  	_ =	task.clear_ibuf [dreg:s7], $0x2FFFF;
	_ =	strace $0x9FFFFFFF  }
0xc2: {  	(tm) =	ssettm $0x7FFFFFFF  }
0xc3: {  	_ =	shalt  }
tec
execute0_lowered:
.L_overlay_start_1:
0x0: {  	(tag) =	ssettag $0x1  }
0x1: {  	s2 =	rddreg [dreg:$0x0]  }
0x2: {  	s0 =	srdreg.scid;
	s3 =	stileid.u32  }
0x3: {  	s1 =	rddreg [dreg:$0x1];
	s11 =	simm.s32 $0x5;
	s13 =	simm.s32 $0x28  }
0x4: {  	s14 =	simm.s32 $0x4E20;
	s15 =	simm.s32 $0x6220;
	s17 =	simm.s32 $0x5820  }
0x5: {  	s19 =	simm.s32 $0x6C20;
	s20 =	simm.s32 $0x7620;
	s21 =	simm.s32 $0x8A20  }
0x6: {  	s22 =	simm.s32 $0x8020;
	s23 =	simm.s32 $0x9420;
	s28 =	simm.s32 $0xB220  }
0x7: {  	s29 =	simm.s32 $0x3;
	s0 =	sand.u32 $0x1, s0;
	s4 =	sshll.u32 s3, $0x1  }
0x8: {  	s31 =	simm.s32 $0x0;
	s3 =	simm.s32 $0x0;
	s6 =	sor.u32 s0, s4  }
0x9: {  	[smem:$0x7FF] =	sst s3;
	s0 =	ssub.s32 $0x2, s0;
	s5 =	smul.u32 $0x4E2, s6  }
0xa: {  	s4 =	sadd.s32 $0x15400, s1;
	s7 =	smul.u32 $0x9C400, s6;
	s24 =	sshrl.u32 s0, $0x1  }
0xb: {  	_ =	strace $0x80000047;
	s6 =	smul.u32 $0x1388, s6;
	s0 =	ssub.s32 s0, s24  }
0xc: {  	s8 =	sadd.s32 s5, s1;
	s5 =	sadd.s32 $0x28E00, s1;
	s0 =	smax.u32 s0, $0x1  }
0xd: {  	s7 =	sshrl.u32 s7, $0x3;
	s26 =	sadd.s32 $0xB600, s8;
	[dreg:$0x6] =	wrdreg s0  }
0xe: {  	s25 =	sadd.s32 s5, s7;
	s30 =	sadd.s32 $0x1800, s8;
	[dreg:$0x3] =	wrdreg s26  }
0xf: {  	s24 =	simm.s32 $0x1;
	[dreg:$0x4] =	wrdreg s30;
	s1 =	sadd.s32 $0x13600, s25  }
0x10: {  	s25 =	simm.s32 $0x9E20;
	s26 =	simm.s32 $0x2;
	[dreg:$0x5] =	wrdreg s1  }
.LBB2_1:
0x11: {  	s0 =	rddreg [dreg:$0x3]  }
0x12: {  	[tilespmem:s3], [sflag:$0x5] =	stream.linear.gather [hbm4b:s0+s3], $0x2710, $0x38;
	[tilespmem:$0xC620] =	vst v63  }
0x13: {  	_ =	swait.ge [sflag:s11], $0x2710  }
0x14: {  	[sflag:s11] =	ssyncset.done $0x0  }
0x15: {  	s1 =	simm.s32 $0x2710;
	s16 =	rddreg [dreg:$0x4];
	[sflag:s11] =	ssyncadd.s32 $0xFFFFD8F0  }
0x16: {  	[tilespmem:s1], [sflag:$0x5] =	stream.linear.gather [hbm4b:s16+s3], $0x2710, $0x38;
	[tilespmem:$0xC620] =	vst v63  }
0x17: {  	_ =	swait.ge [sflag:s11], $0x2710  }
0x18: {  	[sflag:s11] =	ssyncset.done $0x0  }
0x19: {  	[sflag:s11] =	ssyncadd.s32 $0xFFFFD8F0  }
0x1a: {  	[tilespmem:s14], [sflag:$0x1] =	stream.indirect.gather [hbm4b:s2+s13], $0x40, s3, s13, $0xb8;
	[tilespmem:$0xC620] =	vst v63  }
0x1b: {  	_ = 	snop  }
0x1c: {  	[tilespmem:s15], [sflag:$0x1] =	stream.indirect.gather [hbm4b:s4+s13], $0x40, s1, s13, $0xb8;
	[tilespmem:$0xC620] =	vst v63  }
0x1d: {  	s18 =	simm.s32 $0x3E8  }
0x1e: {  	[tilespmem:s17], [sflag:$0x1] =	stream.indirect.gather [hbm4b:s2+s13], $0x40, s18, s13, $0xb8;
	[tilespmem:$0xC620] =	vst v63  }
0x1f: {  	s30 =	simm.s32 $0x2AF8;
	s1 =	simm.s32 $0x0  }
0x20: {  	[tilespmem:s19], [sflag:$0x1] =	stream.indirect.gather [hbm4b:s4+s13], $0x40, s30, s13, $0xb8;
	[tilespmem:$0xC620] =	vst v63  }
.LBB2_2:
0x21: {  	s0 =	sshllo.u32 s1, $0x1  }
0x22: {  	s7 =	sand.u32 $0xFF, s0  }
0x23: {  	s7 =	smul.u32 $0x29, s7;
	_ =	sdelay $0x1  }
0x24: {  	s16 =	sshrl.u32 s7, $0xA  }
0x25: {  	s7 =	smul.u32 $0x19, s16;
	_ =	sdelay $0x1  }
0x26: {  	s0 =	ssub.s32 s0, s7  }
0x27: {  	s18 =	smul.u32 $0x7D0, s16;
	s0 =	sand.u32 $0xFF, s0  }
0x28: {  	s0 =	smul.u32 $0x28, s0;
	_ =	sdelay $0x1  }
0x29: {  	s7 =	sadd.s32 s0, s18  }
0x2a: {  	[tilespmem:s20], [sflag:$0x2] =	stream.indirect.gather [hbm4b:s2+s13], $0x40, s7, s13, $0xb8;
	[tilespmem:$0xC620] =	vst v63  }
0x2b: {  	s8 =	sadd.s32 $0x2710, s7  }
0x2c: {  	[tilespmem:s21], [sflag:$0x2] =	stream.indirect.gather [hbm4b:s4+s13], $0x40, s8, s13, $0xb8;
	[tilespmem:$0xC620] =	vst v63  }
0x2d: {  	s30 =	sadd.s32 $0x3E8, s7  }
0x2e: {  	[tilespmem:s22], [sflag:$0x2] =	stream.indirect.gather [hbm4b:s2+s13], $0x40, s30, s13, $0xb8;
	[tilespmem:$0xC620] =	vst v63  }
0x2f: {  	s7 =	sadd.s32 $0x2AF8, s7  }
0x30: {  	[tilespmem:s23], [sflag:$0x2] =	stream.indirect.gather [hbm4b:s4+s13], $0x40, s7, s13, $0xb8;
	[tilespmem:$0xC620] =	vst v63  }
0x31: {  	_ =	swait.ge [sflag:s24], $0xA00  }
0x32: {  	[sflag:s24] =	ssyncset.done $0x0  }
0x33: {  	[sflag:s24] =	ssyncadd.s32 $0xFFFFF600  }
0x34: {  	_ =	swait.ge [sflag:s24], $0xA00  }
0x35: {  	[sflag:s24] =	ssyncset.done $0x0  }
0x36: {  	[sflag:s24] =	ssyncadd.s32 $0xFFFFF600  }
0x37: {  	_ =	swait.ge [sflag:s24], $0xA00  }
0x38: {  	[sflag:s24] =	ssyncset.done $0x0  }
0x39: {  	[sflag:s24] =	ssyncadd.s32 $0xFFFFF600  }
0x3a: {  	_ =	swait.ge [sflag:s24], $0xA00  }
0x3b: {  	p0 =	seq.s32 s1, $0x0;
	[sflag:s24] =	ssyncset.done $0x0  }
0x3c: {  	s7 =	simm.s32 @!p0 $0x3;
	[sflag:s24] =	ssyncadd.s32 $0xFFFFF600  }
0x3d: {  	_ =	swait.ge @!p0 [sflag:s7], $0x1400  }
0x3e: {  	[sflag:s7] =	ssyncset.done @!p0 $0x0  }
0x3f: {  	s18 =	simm.s32 $0xFFFFF600;
	[sflag:s7] =	ssyncadd.s32 @!p0 $0xFFFFEC00  }
0x40: {  	v0 =	vld [tilespmem:s18+$0x7620]  }
0x41: {  	v1 =	vld [tilespmem:s18+$0x6220]  }
0x42: {  	v2 =	vld [tilespmem:s18+$0x6C20]  }
0x43: {  	v3 =	vld [tilespmem:s18+$0x5820];
	_ =	sdelay $0x4  }
0x44: {  	v0 =	vadd.bf16 v0, v1;
	v1 =	vadd.bf16 v2, v3;
	_ =	sdelay $0x1  }
0x45: {  	v2 =	vand.u32 $0xFFFF, v1;
	v3 =	vshll.u32 v0, $0x10  }
0x46: {  	s8 =	simm.s32 $0x9E60;
	v0 =	vand.u32 $0xFFFF0000, v0;
	v1 =	vshrl.u32 v1, $0x10;
	v2 =	vor.u32 v2, v3  }
0x47: {  	v0 =	vor.u32 v1, v0;
	[tilespmem:s8+$0xFFFFFFC0] =	vst v2  }
0x48: {  	[tilespmem:s8+$0x0] =	vst v0  }
0x49: {  	v0 =	vld [tilespmem:s18+$0x7630]  }
0x4a: {  	v1 =	vld [tilespmem:s18+$0x5830]  }
0x4b: {  	v2 =	vld [tilespmem:s18+$0x6230]  }
0x4c: {  	v3 =	vld [tilespmem:s18+$0x6C30];
	_ =	sdelay $0x4  }
0x4d: {  	v0 =	vadd.bf16 v0, v2;
	v1 =	vadd.bf16 v3, v1;
	_ =	sdelay $0x1  }
0x4e: {  	v2 =	vshll.u32 v0, $0x10;
	v3 =	vand.u32 $0xFFFF, v1  }
0x4f: {  	v0 =	vand.u32 $0xFFFF0000, v0;
	v1 =	vshrl.u32 v1, $0x10;
	v2 =	vor.u32 v3, v2  }
0x50: {  	v0 =	vor.u32 v1, v0;
	[tilespmem:s8+$0xFFFFFFD0] =	vst v2  }
0x51: {  	[tilespmem:s8+$0x10] =	vst v0  }
0x52: {  	v0 =	vld [tilespmem:s18+$0x7640]  }
0x53: {  	v1 =	vld [tilespmem:s18+$0x6C40]  }
0x54: {  	v2 =	vld [tilespmem:s18+$0x5840]  }
0x55: {  	v3 =	vld [tilespmem:s18+$0x6240];
	_ =	sdelay $0x4  }
0x56: {  	v1 =	vadd.bf16 v1, v2;
	v0 =	vadd.bf16 v0, v3;
	_ =	sdelay $0x1  }
0x57: {  	v2 =	vand.u32 $0xFFFF, v1;
	v3 =	vshll.u32 v0, $0x10  }
0x58: {  	v1 =	vshrl.u32 v1, $0x10;
	v0 =	vand.u32 $0xFFFF0000, v0;
	v2 =	vor.u32 v2, v3  }
0x59: {  	v0 =	vor.u32 v1, v0;
	[tilespmem:s8+$0xFFFFFFE0] =	vst v2  }
0x5a: {  	[tilespmem:s8+$0x20] =	vst v0  }
0x5b: {  	v0 =	vld [tilespmem:s18+$0x7650]  }
0x5c: {  	v1 =	vld [tilespmem:s18+$0x5850]  }
0x5d: {  	s12 =	sshll.u32 s1, $0x1;
	s9 =	simm.s32 $0xFFFFDA00;
	v2 =	vld [tilespmem:s18+$0x6C50]  }
0x5e: {  	s10 =	simm.s32 $0x9EE0;
	s7 =	simm.s32 $0xFFFFF640;
	v3 =	vld [tilespmem:s18+$0x6250];
	s18 =	simm.s32 $0x9EE0  }
.LBB2_3:
0x5f: {  	_ =	sdelay $0x1  }
0x60: {  	p1 =	sne.s32 s9, $0xFFFFFF00  }
0x61: {  	s10 =	sadd.s32 $0x80, s10;
	s30 =	smov.u32 s9;
	s9 =	sadd.s32 $0x100, s9  }
0x62: {  	v1 =	vadd.bf16 v2, v1;
	v0 =	vadd.bf16 v0, v3;
	_ =	sdelay $0x1  }
0x63: {  	v2 =	vand.u32 $0xFFFF, v1;
	v1 =	vshrl.u32 v1, $0x10;
	v3 =	vshll.u32 v0, $0x10  }
0x64: {  	v0 =	vand.u32 $0xFFFF0000, v0;
	v2 =	vor.u32 v2, v3  }
0x65: {  	v0 =	vor.u32 v1, v0;
	[tilespmem:s8+$0xFFFFFFF0] =	vst v2  }
0x66: {  	[tilespmem:s8+$0x30] =	vst v0;
	s8 =	smov.u32 s18;
	s18 =	smov.u32 s10  }
0x67: {  	v0 =	vld [tilespmem:s7+$0x7620]  }
0x68: {  	v1 =	vld [tilespmem:s7+$0x6220]  }
0x69: {  	v2 =	vld [tilespmem:s7+$0x6C20]  }
0x6a: {  	v3 =	vld [tilespmem:s7+$0x5820];
	_ =	sdelay $0x3  }
0x6b: {  	v0 =	vadd.bf16 v0, v1  }
0x6c: {  	v1 =	vadd.bf16 v2, v3  }
0x6d: {  	s30 =	sshra.s32 s30, $0x2;
	v2 =	vand.u32 $0xFFFF0000, v0  }
0x6e: {  	v0 =	vshll.u32 v0, $0x10;
	v3 =	vand.u32 $0xFFFF, v1;
	v1 =	vshrl.u32 v1, $0x10  }
0x6f: {  	v0 =	vor.u32 v3, v0;
	v1 =	vor.u32 v1, v2  }
0x70: {  	[tilespmem:s8+$0xFFFFFFC0] =	vst v0  }
0x71: {  	[tilespmem:s8+$0x0] =	vst v1  }
0x72: {  	v0 =	vld [tilespmem:s7+$0x7630]  }
0x73: {  	v1 =	vld [tilespmem:s7+$0x5830]  }
0x74: {  	v2 =	vld [tilespmem:s7+$0x6230]  }
0x75: {  	v3 =	vld [tilespmem:s7+$0x6C30];
	_ =	sdelay $0x3  }
0x76: {  	v0 =	vadd.bf16 v0, v2  }
0x77: {  	v1 =	vadd.bf16 v3, v1  }
0x78: {  	v2 =	vshll.u32 v0, $0x10;
	v0 =	vand.u32 $0xFFFF0000, v0  }
0x79: {  	v3 =	vand.u32 $0xFFFF, v1;
	v1 =	vshrl.u32 v1, $0x10  }
0x7a: {  	v2 =	vor.u32 v3, v2;
	v0 =	vor.u32 v1, v0  }
0x7b: {  	[tilespmem:s8+$0xFFFFFFD0] =	vst v2  }
0x7c: {  	[tilespmem:s8+$0x10] =	vst v0  }
0x7d: {  	v0 =	vld [tilespmem:s7+$0x7640]  }
0x7e: {  	v1 =	vld [tilespmem:s7+$0x6C40]  }
0x7f: {  	v2 =	vld [tilespmem:s7+$0x5840]  }
0x80: {  	v3 =	vld [tilespmem:s7+$0x6240];
	_ =	sdelay $0x3  }
0x81: {  	v1 =	vadd.bf16 v1, v2  }
0x82: {  	v0 =	vadd.bf16 v0, v3  }
0x83: {  	v2 =	vand.u32 $0xFFFF, v1  }
0x84: {  	v1 =	vshrl.u32 v1, $0x10;
	v3 =	vshll.u32 v0, $0x10;
	v0 =	vand.u32 $0xFFFF0000, v0  }
0x85: {  	v2 =	vor.u32 v2, v3;
	v0 =	vor.u32 v1, v0  }
0x86: {  	[tilespmem:s8+$0xFFFFFFE0] =	vst v2  }
.Ltmp0:
0x87: {  	[tilespmem:s8+$0x20] =	vst v0;
	(pc) =	sbr.rel @p1 .LBB2_3-.Ltmp0, $4  }
0x88: {  	v0 =	vld [tilespmem:s7+$0x7650]  }
0x89: {  	v1 =	vld [tilespmem:s7+$0x5850]  }
0x8a: {  	v2 =	vld [tilespmem:s7+$0x6C50]  }
0x8b: {  	v3 =	vld [tilespmem:s7+$0x6250];
	s7 =	smov.u32 s30  }
0x8c: {  	_ =	sdelay $0x3  }
0x8d: {  	v1 =	vadd.bf16 v2, v1;
	v0 =	vadd.bf16 v0, v3;
	_ =	sdelay $0x1  }
0x8e: {  	v2 =	vand.u32 $0xFFFF, v1;
	v3 =	vshll.u32 v0, $0x10  }
0x8f: {  	v1 =	vshrl.u32 v1, $0x10;
	v0 =	vand.u32 $0xFFFF0000, v0;
	v2 =	vor.u32 v2, v3  }
0x90: {  	v0 =	vor.u32 v1, v0;
	[tilespmem:s8+$0xFFFFFFF0] =	vst v2  }
0x91: {  	[tilespmem:s8+$0x30] =	vst v0  }
0x92: {  	v0 =	vld [tilespmem:s7+$0x7620]  }
0x93: {  	v1 =	vld [tilespmem:s7+$0x6220]  }
0x94: {  	v2 =	vld [tilespmem:s7+$0x6C20]  }
0x95: {  	v3 =	vld [tilespmem:s7+$0x5820];
	_ =	sdelay $0x4  }
0x96: {  	v0 =	vadd.bf16 v0, v1;
	v1 =	vadd.bf16 v2, v3;
	_ =	sdelay $0x1  }
0x97: {  	v2 =	vand.u32 $0xFFFF, v1;
	v3 =	vshll.u32 v0, $0x10  }
0x98: {  	v0 =	vand.u32 $0xFFFF0000, v0;
	v1 =	vshrl.u32 v1, $0x10;
	v2 =	vor.u32 v2, v3  }
0x99: {  	v0 =	vor.u32 v1, v0;
	[tilespmem:s18+$0xFFFFFFC0] =	vst v2  }
0x9a: {  	[tilespmem:s18+$0x0] =	vst v0  }
0x9b: {  	v0 =	vld [tilespmem:s7+$0x7630]  }
0x9c: {  	v1 =	vld [tilespmem:s7+$0x5830]  }
0x9d: {  	v2 =	vld [tilespmem:s7+$0x6230]  }
0x9e: {  	v3 =	vld [tilespmem:s7+$0x6C30];
	_ =	sdelay $0x4  }
0x9f: {  	v0 =	vadd.bf16 v0, v2;
	v1 =	vadd.bf16 v3, v1;
	_ =	sdelay $0x1  }
0xa0: {  	v2 =	vshll.u32 v0, $0x10;
	v3 =	vand.u32 $0xFFFF, v1  }
0xa1: {  	v0 =	vand.u32 $0xFFFF0000, v0;
	v1 =	vshrl.u32 v1, $0x10;
	v2 =	vor.u32 v3, v2  }
0xa2: {  	v0 =	vor.u32 v1, v0;
	[tilespmem:s18+$0xFFFFFFD0] =	vst v2  }
0xa3: {  	[tilespmem:s18+$0x10] =	vst v0  }
0xa4: {  	v0 =	vld [tilespmem:s7+$0x7640]  }
0xa5: {  	v1 =	vld [tilespmem:s7+$0x6C40]  }
0xa6: {  	v2 =	vld [tilespmem:s7+$0x5840]  }
0xa7: {  	v3 =	vld [tilespmem:s7+$0x6240];
	_ =	sdelay $0x4  }
0xa8: {  	v1 =	vadd.bf16 v1, v2;
	v0 =	vadd.bf16 v0, v3;
	_ =	sdelay $0x1  }
0xa9: {  	v2 =	vand.u32 $0xFFFF, v1;
	v3 =	vshll.u32 v0, $0x10  }
0xaa: {  	v1 =	vshrl.u32 v1, $0x10;
	v0 =	vand.u32 $0xFFFF0000, v0;
	v2 =	vor.u32 v2, v3  }
0xab: {  	v0 =	vor.u32 v1, v0;
	[tilespmem:s18+$0xFFFFFFE0] =	vst v2  }
0xac: {  	[tilespmem:s18+$0x20] =	vst v0  }
0xad: {  	v0 =	vld [tilespmem:s7+$0x7650]  }
0xae: {  	v1 =	vld [tilespmem:s7+$0x5850]  }
0xaf: {  	s9 =	smulhi.u32 $0x51EB851F, s12;
	v2 =	vld [tilespmem:s7+$0x6C50]  }
0xb0: {  	v3 =	vld [tilespmem:s7+$0x6250]  }
0xb1: {  	s10 =	sshrl.u32 s9, $0x3  }
0xb2: {  	s8 =	smul.u32 $0x19, s10  }
0xb3: {  	s9 =	sadd.s32 $0x2, s12;
	s7 =	smul.u32 $0x3E8, s10  }
0xb4: {  	s8 =	ssub.s32 s12, s8;
	s10 =	smulhi.u32 $0x51EB851F, s9  }
0xb5: {  	s8 =	smul.u32 $0x28, s8;
	v1 =	vadd.bf16 v2, v1;
	v0 =	vadd.bf16 v0, v3  }
0xb6: {  	s7 =	sadd.s32 s6, s7;
	s10 =	sshrl.u32 s10, $0x3  }
0xb7: {  	s7 =	sadd.s32 s8, s7;
	s30 =	smul.u32 $0x19, s10;
	v2 =	vand.u32 $0xFFFF, v1;
	v3 =	vshll.u32 v0, $0x10  }
0xb8: {  	s7 =	sshll.u32 s7, $0x4;
	v1 =	vshrl.u32 v1, $0x10;
	v0 =	vand.u32 $0xFFFF0000, v0;
	v2 =	vor.u32 v2, v3  }
0xb9: {  	s10 =	smul.u32 $0x7D0, s10;
	s7 =	sand.u32 $0x1FFFFF80, s7;
	s8 =	ssub.s32 s9, s30;
	v0 =	vor.u32 v1, v0;
	[tilespmem:s18+$0xFFFFFFF0] =	vst v2  }
0xba: {  	s7 =	sadd.s32 s5, s7;
	s8 =	smul.u32 $0x28, s8;
	[tilespmem:s18+$0x30] =	vst v0  }
0xbb: {  	[hbm4b:s7+s3] =	stream.linear.scatter [tilespmem:s25], [sflag:$0x3], $0x1400, $0x38;
	[tilespmem:$0xC620] =	vst v63  }
0xbc: {  	s12 =	sadd.s32 s8, s10  }
0xbd: {  	[tilespmem:s14], [sflag:$0x1] =	stream.indirect.gather [hbm4b:s2+s13], $0x40, s12, s13, $0xb8;
	[tilespmem:$0xC620] =	vst v63  }
0xbe: {  	s8 =	sadd.s32 $0x2710, s12  }
0xbf: {  	[tilespmem:s15], [sflag:$0x1] =	stream.indirect.gather [hbm4b:s4+s13], $0x40, s8, s13, $0xb8;
	[tilespmem:$0xC620] =	vst v63  }
0xc0: {  	s18 =	sadd.s32 $0x3E8, s12  }
0xc1: {  	[tilespmem:s17], [sflag:$0x1] =	stream.indirect.gather [hbm4b:s2+s13], $0x40, s18, s13, $0xb8;
	[tilespmem:$0xC620] =	vst v63  }
0xc2: {  	s7 =	sadd.s32 $0x2AF8, s12  }
0xc3: {  	[tilespmem:s19], [sflag:$0x1] =	stream.indirect.gather [hbm4b:s4+s13], $0x40, s7, s13, $0xb8;
	[tilespmem:$0xC620] =	vst v63  }
0xc4: {  	_ =	swait.ge [sflag:s26], $0xA00  }
0xc5: {  	[sflag:s26] =	ssyncset.done $0x0  }
0xc6: {  	[sflag:s26] =	ssyncadd.s32 $0xFFFFF600  }
0xc7: {  	_ =	swait.ge [sflag:s26], $0xA00  }
0xc8: {  	[sflag:s26] =	ssyncset.done $0x0  }
0xc9: {  	[sflag:s26] =	ssyncadd.s32 $0xFFFFF600  }
0xca: {  	_ =	swait.ge [sflag:s26], $0xA00  }
0xcb: {  	[sflag:s26] =	ssyncset.done $0x0  }
0xcc: {  	[sflag:s26] =	ssyncadd.s32 $0xFFFFF600  }
0xcd: {  	_ =	swait.ge [sflag:s26], $0xA00  }
0xce: {  	[sflag:s26] =	ssyncset.done $0x0  }
0xcf: {  	s7 =	simm.s32 @!p0 $0x4;
	[sflag:s26] =	ssyncadd.s32 $0xFFFFF600  }
0xd0: {  	_ =	swait.ge @!p0 [sflag:s7], $0x1400  }
0xd1: {  	[sflag:s7] =	ssyncset.done @!p0 $0x0  }
0xd2: {  	s30 =	simm.s32 $0xFFFFF600;
	[sflag:s7] =	ssyncadd.s32 @!p0 $0xFFFFEC00  }
0xd3: {  	v0 =	vld [tilespmem:s30+$0x9E20]  }
0xd4: {  	v1 =	vld [tilespmem:s30+$0x8A20]  }
0xd5: {  	v2 =	vld [tilespmem:s30+$0x9420]  }
0xd6: {  	v3 =	vld [tilespmem:s30+$0x8020];
	_ =	sdelay $0x4  }
0xd7: {  	v0 =	vadd.bf16 v0, v1;
	v1 =	vadd.bf16 v2, v3;
	_ =	sdelay $0x1  }
0xd8: {  	v2 =	vand.u32 $0xFFFF, v1;
	v3 =	vshll.u32 v0, $0x10  }
0xd9: {  	s8 =	simm.s32 $0xB260;
	v0 =	vand.u32 $0xFFFF0000, v0;
	v1 =	vshrl.u32 v1, $0x10;
	v2 =	vor.u32 v2, v3  }
0xda: {  	v0 =	vor.u32 v1, v0;
	[tilespmem:s8+$0xFFFFFFC0] =	vst v2  }
0xdb: {  	[tilespmem:s8+$0x0] =	vst v0  }
0xdc: {  	v0 =	vld [tilespmem:s30+$0x9E30]  }
0xdd: {  	v1 =	vld [tilespmem:s30+$0x8030]  }
0xde: {  	v2 =	vld [tilespmem:s30+$0x8A30]  }
0xdf: {  	v3 =	vld [tilespmem:s30+$0x9430];
	_ =	sdelay $0x4  }
0xe0: {  	v0 =	vadd.bf16 v0, v2;
	v1 =	vadd.bf16 v3, v1;
	_ =	sdelay $0x1  }
0xe1: {  	v2 =	vshll.u32 v0, $0x10;
	v3 =	vand.u32 $0xFFFF, v1  }
0xe2: {  	v0 =	vand.u32 $0xFFFF0000, v0;
	v1 =	vshrl.u32 v1, $0x10;
	v2 =	vor.u32 v3, v2  }
0xe3: {  	v0 =	vor.u32 v1, v0;
	[tilespmem:s8+$0xFFFFFFD0] =	vst v2  }
0xe4: {  	[tilespmem:s8+$0x10] =	vst v0  }
0xe5: {  	v0 =	vld [tilespmem:s30+$0x9E40]  }
0xe6: {  	v1 =	vld [tilespmem:s30+$0x9440]  }
0xe7: {  	v2 =	vld [tilespmem:s30+$0x8040]  }
0xe8: {  	v3 =	vld [tilespmem:s30+$0x8A40];
	_ =	sdelay $0x4  }
0xe9: {  	v1 =	vadd.bf16 v1, v2;
	v0 =	vadd.bf16 v0, v3;
	_ =	sdelay $0x1  }
0xea: {  	v2 =	vand.u32 $0xFFFF, v1;
	v3 =	vshll.u32 v0, $0x10  }
0xeb: {  	v1 =	vshrl.u32 v1, $0x10;
	v0 =	vand.u32 $0xFFFF0000, v0;
	v2 =	vor.u32 v2, v3  }
0xec: {  	v0 =	vor.u32 v1, v0;
	[tilespmem:s8+$0xFFFFFFE0] =	vst v2  }
0xed: {  	[tilespmem:s8+$0x20] =	vst v0  }
0xee: {  	v0 =	vld [tilespmem:s30+$0x9E50]  }
0xef: {  	v1 =	vld [tilespmem:s30+$0x8050]  }
0xf0: {  	s9 =	simm.s32 $0xFFFFDA00;
	v2 =	vld [tilespmem:s30+$0x9450]  }
0xf1: {  	s10 =	simm.s32 $0xB2E0;
	s18 =	simm.s32 $0xB2E0;
	s7 =	simm.s32 $0xFFFFF640;
	v3 =	vld [tilespmem:s30+$0x8A50]  }
.LBB2_5:
0xf2: {  	_ =	sdelay $0x1  }
0xf3: {  	p0 =	sne.s32 s9, $0xFFFFFF00  }
0xf4: {  	s10 =	sadd.s32 $0x80, s10;
	s12 =	smov.u32 s9;
	s9 =	sadd.s32 $0x100, s9  }
0xf5: {  	v1 =	vadd.bf16 v2, v1;
	v0 =	vadd.bf16 v0, v3;
	_ =	sdelay $0x1  }
0xf6: {  	v2 =	vand.u32 $0xFFFF, v1;
	v1 =	vshrl.u32 v1, $0x10;
	v3 =	vshll.u32 v0, $0x10  }
0xf7: {  	v0 =	vand.u32 $0xFFFF0000, v0;
	v2 =	vor.u32 v2, v3  }
0xf8: {  	v0 =	vor.u32 v1, v0;
	[tilespmem:s8+$0xFFFFFFF0] =	vst v2  }
0xf9: {  	[tilespmem:s8+$0x30] =	vst v0;
	s8 =	smov.u32 s18;
	s18 =	smov.u32 s10  }
0xfa: {  	v0 =	vld [tilespmem:s7+$0x9E20]  }
0xfb: {  	v1 =	vld [tilespmem:s7+$0x8A20]  }
0xfc: {  	v2 =	vld [tilespmem:s7+$0x9420]  }
0xfd: {  	v3 =	vld [tilespmem:s7+$0x8020];
	_ =	sdelay $0x3  }
0xfe: {  	v0 =	vadd.bf16 v0, v1  }
0xff: {  	v1 =	vadd.bf16 v2, v3  }
0x100: {  	s12 =	sshra.s32 s12, $0x2;
	v2 =	vand.u32 $0xFFFF0000, v0  }
0x101: {  	v0 =	vshll.u32 v0, $0x10;
	v3 =	vand.u32 $0xFFFF, v1;
	v1 =	vshrl.u32 v1, $0x10  }
0x102: {  	v0 =	vor.u32 v3, v0;
	v1 =	vor.u32 v1, v2  }
0x103: {  	[tilespmem:s8+$0xFFFFFFC0] =	vst v0  }
0x104: {  	[tilespmem:s8+$0x0] =	vst v1  }
0x105: {  	v0 =	vld [tilespmem:s7+$0x9E30]  }
0x106: {  	v1 =	vld [tilespmem:s7+$0x8030]  }
0x107: {  	v2 =	vld [tilespmem:s7+$0x8A30]  }
0x108: {  	v3 =	vld [tilespmem:s7+$0x9430];
	_ =	sdelay $0x3  }
0x109: {  	v0 =	vadd.bf16 v0, v2  }
0x10a: {  	v1 =	vadd.bf16 v3, v1  }
0x10b: {  	v2 =	vshll.u32 v0, $0x10;
	v0 =	vand.u32 $0xFFFF0000, v0  }
0x10c: {  	v3 =	vand.u32 $0xFFFF, v1;
	v1 =	vshrl.u32 v1, $0x10  }
0x10d: {  	v2 =	vor.u32 v3, v2;
	v0 =	vor.u32 v1, v0  }
0x10e: {  	[tilespmem:s8+$0xFFFFFFD0] =	vst v2  }
0x10f: {  	[tilespmem:s8+$0x10] =	vst v0  }
0x110: {  	v0 =	vld [tilespmem:s7+$0x9E40]  }
0x111: {  	v1 =	vld [tilespmem:s7+$0x9440]  }
0x112: {  	v2 =	vld [tilespmem:s7+$0x8040]  }
0x113: {  	v3 =	vld [tilespmem:s7+$0x8A40];
	_ =	sdelay $0x3  }
0x114: {  	v1 =	vadd.bf16 v1, v2  }
0x115: {  	v0 =	vadd.bf16 v0, v3  }
0x116: {  	v2 =	vand.u32 $0xFFFF, v1  }
0x117: {  	v1 =	vshrl.u32 v1, $0x10;
	v3 =	vshll.u32 v0, $0x10;
	v0 =	vand.u32 $0xFFFF0000, v0  }
0x118: {  	v2 =	vor.u32 v2, v3;
	v0 =	vor.u32 v1, v0  }
0x119: {  	[tilespmem:s8+$0xFFFFFFE0] =	vst v2  }
.Ltmp1:
0x11a: {  	[tilespmem:s8+$0x20] =	vst v0;
	(pc) =	sbr.rel @p0 .LBB2_5-.Ltmp1, $4  }
0x11b: {  	v0 =	vld [tilespmem:s7+$0x9E50]  }
0x11c: {  	v1 =	vld [tilespmem:s7+$0x8050]  }
0x11d: {  	v2 =	vld [tilespmem:s7+$0x9450]  }
0x11e: {  	v3 =	vld [tilespmem:s7+$0x8A50];
	s7 =	smov.u32 s12  }
0x11f: {  	_ =	sdelay $0x3  }
0x120: {  	v1 =	vadd.bf16 v2, v1;
	v0 =	vadd.bf16 v0, v3;
	_ =	sdelay $0x1  }
0x121: {  	v2 =	vand.u32 $0xFFFF, v1;
	v3 =	vshll.u32 v0, $0x10  }
0x122: {  	v1 =	vshrl.u32 v1, $0x10;
	v0 =	vand.u32 $0xFFFF0000, v0;
	v2 =	vor.u32 v2, v3  }
0x123: {  	v0 =	vor.u32 v1, v0;
	[tilespmem:s8+$0xFFFFFFF0] =	vst v2  }
0x124: {  	[tilespmem:s8+$0x30] =	vst v0  }
0x125: {  	v0 =	vld [tilespmem:s7+$0x9E20]  }
0x126: {  	v54 =	vld [tilespmem:s7+$0x8A20]  }
0x127: {  	v2 =	vld [tilespmem:s7+$0x9420]  }
0x128: {  	v55 =	vld [tilespmem:s7+$0x8020];
	_ =	sdelay $0x4  }
0x129: {  	v0 =	vadd.bf16 v0, v54;
	v56 =	vadd.bf16 v2, v55;
	_ =	sdelay $0x1  }
0x12a: {  	v2 =	vand.u32 $0xFFFF, v56;
	v57 =	vshll.u32 v0, $0x10  }
0x12b: {  	v0 =	vand.u32 $0xFFFF0000, v0;
	v1 =	vshrl.u32 v56, $0x10;
	v2 =	vor.u32 v2, v57  }
0x12c: {  	v0 =	vor.u32 v1, v0;
	[tilespmem:s18+$0xFFFFFFC0] =	vst v2  }
0x12d: {  	[tilespmem:s18+$0x0] =	vst v0  }
0x12e: {  	v0 =	vld [tilespmem:s7+$0x9E30]  }
0x12f: {  	v58 =	vld [tilespmem:s7+$0x8030]  }
0x130: {  	v2 =	vld [tilespmem:s7+$0x8A30]  }
0x131: {  	v59 =	vld [tilespmem:s7+$0x9430];
	_ =	sdelay $0x4  }
0x132: {  	v0 =	vadd.bf16 v0, v2;
	v1 =	vadd.bf16 v59, v58;
	_ =	sdelay $0x1  }
0x133: {  	v2 =	vshll.u32 v0, $0x10;
	v3 =	vand.u32 $0xFFFF, v1  }
0x134: {  	v0 =	vand.u32 $0xFFFF0000, v0;
	v1 =	vshrl.u32 v1, $0x10;
	v2 =	vor.u32 v3, v2  }
0x135: {  	v0 =	vor.u32 v1, v0;
	[tilespmem:s18+$0xFFFFFFD0] =	vst v2  }
0x136: {  	[tilespmem:s18+$0x10] =	vst v0  }
0x137: {  	v0 =	vld [tilespmem:s7+$0x9E40]  }
0x138: {  	v60 =	vld [tilespmem:s7+$0x9440]  }
0x139: {  	v2 =	vld [tilespmem:s7+$0x8040]  }
0x13a: {  	v61 =	vld [tilespmem:s7+$0x8A40];
	_ =	sdelay $0x4  }
0x13b: {  	v1 =	vadd.bf16 v60, v2;
	v0 =	vadd.bf16 v0, v61;
	_ =	sdelay $0x1  }
0x13c: {  	v2 =	vand.u32 $0xFFFF, v1;
	v3 =	vshll.u32 v0, $0x10  }
0x13d: {  	v1 =	vshrl.u32 v1, $0x10;
	v0 =	vand.u32 $0xFFFF0000, v0;
	v2 =	vor.u32 v2, v3  }
0x13e: {  	v0 =	vor.u32 v1, v0;
	[tilespmem:s18+$0xFFFFFFE0] =	vst v2  }
0x13f: {  	[tilespmem:s18+$0x20] =	vst v0  }
0x140: {  	v0 =	vld [tilespmem:s7+$0x9E50]  }
0x141: {  	v62 =	vld [tilespmem:s7+$0x8050]  }
0x142: {  	v2 =	vld [tilespmem:s7+$0x9450]  }
0x143: {  	v63 =	vld [tilespmem:s7+$0x8A50];
	_ =	sdelay $0x3  }
0x144: {  	s30 =	smul.u32 $0x3E8, s16  }
0x145: {  	s1 =	sadd.s32 $0x1, s1;
	v1 =	vadd.bf16 v2, v62;
	v0 =	vadd.bf16 v0, v63  }
0x146: {  	p0 =	sne.s32 s1, $0x3E;
	s7 =	sadd.s32 s6, s30  }
.Ltmp2:
0x147: {  	s0 =	sadd.s32 s0, s7;
	v2 =	vand.u32 $0xFFFF, v1;
	v3 =	vshll.u32 v0, $0x10;
	(pc) =	sbr.rel @p0 .LBB2_2-.Ltmp2, $4  }
0x148: {  	s0 =	sshll.u32 s0, $0x4;
	v1 =	vshrl.u32 v1, $0x10;
	v0 =	vand.u32 $0xFFFF0000, v0;
	v2 =	vor.u32 v2, v3  }
0x149: {  	s0 =	sand.u32 $0xFFFF80, s0;
	v0 =	vor.u32 v1, v0;
	[tilespmem:s18+$0xFFFFFFF0] =	vst v2  }
0x14a: {  	s0 =	sadd.s32 s5, s0;
	[tilespmem:s18+$0x30] =	vst v0  }
0x14b: {  	[hbm4b:s0+s3] =	stream.linear.scatter [tilespmem:s28], [sflag:$0x4], $0x1400, $0x38;
	[tilespmem:$0xC620] =	vst v63  }
0x14c: {  	_ =	swait.ge [sflag:s24], $0xA00  }
0x14d: {  	[sflag:s24] =	ssyncset.done $0x0  }
0x14e: {  	[sflag:s24] =	ssyncadd.s32 $0xFFFFF600  }
0x14f: {  	_ =	swait.ge [sflag:s24], $0xA00  }
0x150: {  	[sflag:s24] =	ssyncset.done $0x0  }
0x151: {  	[sflag:s24] =	ssyncadd.s32 $0xFFFFF600  }
0x152: {  	_ =	swait.ge [sflag:s24], $0xA00  }
0x153: {  	[sflag:s24] =	ssyncset.done $0x0  }
0x154: {  	[sflag:s24] =	ssyncadd.s32 $0xFFFFF600  }
0x155: {  	_ =	swait.ge [sflag:s24], $0xA00  }
0x156: {  	[sflag:s24] =	ssyncset.done $0x0  }
0x157: {  	[sflag:s24] =	ssyncadd.s32 $0xFFFFF600  }
0x158: {  	_ =	swait.ge [sflag:s29], $0x1400  }
0x159: {  	[sflag:s29] =	ssyncset.done $0x0  }
0x15a: {  	s0 =	simm.s32 $0xFFFFF600;
	[sflag:s29] =	ssyncadd.s32 $0xFFFFEC00  }
0x15b: {  	v0 =	vld [tilespmem:s0+$0x7620]  }
0x15c: {  	v1 =	vld [tilespmem:s0+$0x6220]  }
0x15d: {  	v2 =	vld [tilespmem:s0+$0x6C20]  }
0x15e: {  	v3 =	vld [tilespmem:s0+$0x5820];
	_ =	sdelay $0x4  }
0x15f: {  	v0 =	vadd.bf16 v0, v1;
	v1 =	vadd.bf16 v2, v3;
	_ =	sdelay $0x1  }
0x160: {  	v2 =	vand.u32 $0xFFFF, v1;
	v3 =	vshll.u32 v0, $0x10  }
0x161: {  	s7 =	simm.s32 $0x9E60;
	v0 =	vand.u32 $0xFFFF0000, v0;
	v1 =	vshrl.u32 v1, $0x10;
	v2 =	vor.u32 v2, v3  }
0x162: {  	v0 =	vor.u32 v1, v0;
	[tilespmem:s7+$0xFFFFFFC0] =	vst v2  }
0x163: {  	[tilespmem:s7+$0x0] =	vst v0  }
0x164: {  	v0 =	vld [tilespmem:s0+$0x7630]  }
0x165: {  	v1 =	vld [tilespmem:s0+$0x5830]  }
0x166: {  	v2 =	vld [tilespmem:s0+$0x6230]  }
0x167: {  	v3 =	vld [tilespmem:s0+$0x6C30];
	_ =	sdelay $0x4  }
0x168: {  	v0 =	vadd.bf16 v0, v2;
	v1 =	vadd.bf16 v3, v1;
	_ =	sdelay $0x1  }
0x169: {  	v2 =	vshll.u32 v0, $0x10;
	v3 =	vand.u32 $0xFFFF, v1  }
0x16a: {  	v0 =	vand.u32 $0xFFFF0000, v0;
	v1 =	vshrl.u32 v1, $0x10;
	v2 =	vor.u32 v3, v2  }
0x16b: {  	v0 =	vor.u32 v1, v0;
	[tilespmem:s7+$0xFFFFFFD0] =	vst v2  }
0x16c: {  	[tilespmem:s7+$0x10] =	vst v0  }
0x16d: {  	v0 =	vld [tilespmem:s0+$0x7640]  }
0x16e: {  	v1 =	vld [tilespmem:s0+$0x6C40]  }
0x16f: {  	v2 =	vld [tilespmem:s0+$0x5840]  }
0x170: {  	v3 =	vld [tilespmem:s0+$0x6240];
	_ =	sdelay $0x4  }
0x171: {  	v1 =	vadd.bf16 v1, v2;
	v0 =	vadd.bf16 v0, v3;
	_ =	sdelay $0x1  }
0x172: {  	v2 =	vand.u32 $0xFFFF, v1;
	v3 =	vshll.u32 v0, $0x10  }
0x173: {  	v1 =	vshrl.u32 v1, $0x10;
	v0 =	vand.u32 $0xFFFF0000, v0;
	v2 =	vor.u32 v2, v3  }
0x174: {  	v0 =	vor.u32 v1, v0;
	[tilespmem:s7+$0xFFFFFFE0] =	vst v2  }
0x175: {  	[tilespmem:s7+$0x20] =	vst v0  }
0x176: {  	v0 =	vld [tilespmem:s0+$0x7650]  }
0x177: {  	v1 =	vld [tilespmem:s0+$0x5850]  }
0x178: {  	s8 =	simm.s32 $0xFFFFDA00;
	v2 =	vld [tilespmem:s0+$0x6C50]  }
0x179: {  	s9 =	simm.s32 $0x9EE0;
	s1 =	simm.s32 $0xFFFFF640;
	v3 =	vld [tilespmem:s0+$0x6250];
	s0 =	simm.s32 $0x9EE0  }
.LBB2_8:
0x17a: {  	_ =	sdelay $0x1  }
0x17b: {  	p0 =	sne.s32 s8, $0xFFFFFF00  }
0x17c: {  	s9 =	sadd.s32 $0x80, s9;
	s10 =	smov.u32 s8;
	s8 =	sadd.s32 $0x100, s8  }
0x17d: {  	v1 =	vadd.bf16 v2, v1;
	v0 =	vadd.bf16 v0, v3;
	_ =	sdelay $0x1  }
0x17e: {  	v2 =	vand.u32 $0xFFFF, v1;
	v1 =	vshrl.u32 v1, $0x10;
	v3 =	vshll.u32 v0, $0x10  }
0x17f: {  	v0 =	vand.u32 $0xFFFF0000, v0;
	v2 =	vor.u32 v2, v3  }
0x180: {  	v0 =	vor.u32 v1, v0;
	[tilespmem:s7+$0xFFFFFFF0] =	vst v2  }
0x181: {  	[tilespmem:s7+$0x30] =	vst v0;
	s7 =	smov.u32 s0;
	s0 =	smov.u32 s9  }
0x182: {  	v0 =	vld [tilespmem:s1+$0x7620]  }
0x183: {  	v1 =	vld [tilespmem:s1+$0x6220]  }
0x184: {  	v2 =	vld [tilespmem:s1+$0x6C20]  }
0x185: {  	v3 =	vld [tilespmem:s1+$0x5820];
	_ =	sdelay $0x3  }
0x186: {  	v0 =	vadd.bf16 v0, v1  }
0x187: {  	v1 =	vadd.bf16 v2, v3  }
0x188: {  	s10 =	sshra.s32 s10, $0x2;
	v2 =	vand.u32 $0xFFFF0000, v0  }
0x189: {  	v0 =	vshll.u32 v0, $0x10;
	v3 =	vand.u32 $0xFFFF, v1;
	v1 =	vshrl.u32 v1, $0x10  }
0x18a: {  	v0 =	vor.u32 v3, v0;
	v1 =	vor.u32 v1, v2  }
0x18b: {  	[tilespmem:s7+$0xFFFFFFC0] =	vst v0  }
0x18c: {  	[tilespmem:s7+$0x0] =	vst v1  }
0x18d: {  	v0 =	vld [tilespmem:s1+$0x7630]  }
0x18e: {  	v1 =	vld [tilespmem:s1+$0x5830]  }
0x18f: {  	v2 =	vld [tilespmem:s1+$0x6230]  }
0x190: {  	v3 =	vld [tilespmem:s1+$0x6C30];
	_ =	sdelay $0x3  }
0x191: {  	v0 =	vadd.bf16 v0, v2  }
0x192: {  	v1 =	vadd.bf16 v3, v1  }
0x193: {  	v2 =	vshll.u32 v0, $0x10;
	v0 =	vand.u32 $0xFFFF0000, v0  }
0x194: {  	v3 =	vand.u32 $0xFFFF, v1;
	v1 =	vshrl.u32 v1, $0x10  }
0x195: {  	v2 =	vor.u32 v3, v2;
	v0 =	vor.u32 v1, v0  }
0x196: {  	[tilespmem:s7+$0xFFFFFFD0] =	vst v2  }
0x197: {  	[tilespmem:s7+$0x10] =	vst v0  }
0x198: {  	v0 =	vld [tilespmem:s1+$0x7640]  }
0x199: {  	v1 =	vld [tilespmem:s1+$0x6C40]  }
0x19a: {  	v2 =	vld [tilespmem:s1+$0x5840]  }
0x19b: {  	v3 =	vld [tilespmem:s1+$0x6240];
	_ =	sdelay $0x3  }
0x19c: {  	v1 =	vadd.bf16 v1, v2  }
0x19d: {  	v0 =	vadd.bf16 v0, v3  }
0x19e: {  	v2 =	vand.u32 $0xFFFF, v1  }
0x19f: {  	v1 =	vshrl.u32 v1, $0x10;
	v3 =	vshll.u32 v0, $0x10;
	v0 =	vand.u32 $0xFFFF0000, v0  }
0x1a0: {  	v2 =	vor.u32 v2, v3;
	v0 =	vor.u32 v1, v0  }
0x1a1: {  	[tilespmem:s7+$0xFFFFFFE0] =	vst v2  }
.Ltmp3:
0x1a2: {  	[tilespmem:s7+$0x20] =	vst v0;
	(pc) =	sbr.rel @p0 .LBB2_8-.Ltmp3, $4  }
0x1a3: {  	v0 =	vld [tilespmem:s1+$0x7650]  }
0x1a4: {  	v1 =	vld [tilespmem:s1+$0x5850]  }
0x1a5: {  	v2 =	vld [tilespmem:s1+$0x6C50]  }
0x1a6: {  	v3 =	vld [tilespmem:s1+$0x6250];
	s1 =	smov.u32 s10  }
0x1a7: {  	_ =	sdelay $0x3  }
0x1a8: {  	v1 =	vadd.bf16 v2, v1;
	v0 =	vadd.bf16 v0, v3;
	_ =	sdelay $0x1  }
0x1a9: {  	v2 =	vand.u32 $0xFFFF, v1;
	v3 =	vshll.u32 v0, $0x10  }
0x1aa: {  	v1 =	vshrl.u32 v1, $0x10;
	v0 =	vand.u32 $0xFFFF0000, v0;
	v2 =	vor.u32 v2, v3  }
0x1ab: {  	v0 =	vor.u32 v1, v0;
	[tilespmem:s7+$0xFFFFFFF0] =	vst v2  }
0x1ac: {  	[tilespmem:s7+$0x30] =	vst v0  }
0x1ad: {  	v0 =	vld [tilespmem:s1+$0x7620]  }
0x1ae: {  	v54 =	vld [tilespmem:s1+$0x6220]  }
0x1af: {  	v2 =	vld [tilespmem:s1+$0x6C20]  }
0x1b0: {  	v55 =	vld [tilespmem:s1+$0x5820];
	_ =	sdelay $0x4  }
0x1b1: {  	v0 =	vadd.bf16 v0, v54;
	v56 =	vadd.bf16 v2, v55;
	_ =	sdelay $0x1  }
0x1b2: {  	v2 =	vand.u32 $0xFFFF, v56;
	v57 =	vshll.u32 v0, $0x10  }
0x1b3: {  	v0 =	vand.u32 $0xFFFF0000, v0;
	v1 =	vshrl.u32 v56, $0x10;
	v2 =	vor.u32 v2, v57  }
0x1b4: {  	v0 =	vor.u32 v1, v0;
	[tilespmem:s0+$0xFFFFFFC0] =	vst v2  }
0x1b5: {  	[tilespmem:s0+$0x0] =	vst v0  }
0x1b6: {  	v0 =	vld [tilespmem:s1+$0x7630]  }
0x1b7: {  	v58 =	vld [tilespmem:s1+$0x5830]  }
0x1b8: {  	v2 =	vld [tilespmem:s1+$0x6230]  }
0x1b9: {  	v59 =	vld [tilespmem:s1+$0x6C30];
	_ =	sdelay $0x4  }
0x1ba: {  	v0 =	vadd.bf16 v0, v2;
	v1 =	vadd.bf16 v59, v58;
	_ =	sdelay $0x1  }
0x1bb: {  	v2 =	vshll.u32 v0, $0x10;
	v3 =	vand.u32 $0xFFFF, v1  }
0x1bc: {  	v0 =	vand.u32 $0xFFFF0000, v0;
	v1 =	vshrl.u32 v1, $0x10;
	v2 =	vor.u32 v3, v2  }
0x1bd: {  	v0 =	vor.u32 v1, v0;
	[tilespmem:s0+$0xFFFFFFD0] =	vst v2  }
0x1be: {  	[tilespmem:s0+$0x10] =	vst v0  }
0x1bf: {  	v0 =	vld [tilespmem:s1+$0x7640]  }
0x1c0: {  	v60 =	vld [tilespmem:s1+$0x6C40]  }
0x1c1: {  	v2 =	vld [tilespmem:s1+$0x5840]  }
0x1c2: {  	v61 =	vld [tilespmem:s1+$0x6240];
	_ =	sdelay $0x4  }
0x1c3: {  	v1 =	vadd.bf16 v60, v2;
	v0 =	vadd.bf16 v0, v61;
	_ =	sdelay $0x1  }
0x1c4: {  	v2 =	vand.u32 $0xFFFF, v1;
	v3 =	vshll.u32 v0, $0x10  }
0x1c5: {  	v1 =	vshrl.u32 v1, $0x10;
	v0 =	vand.u32 $0xFFFF0000, v0;
	v2 =	vor.u32 v2, v3  }
0x1c6: {  	v0 =	vor.u32 v1, v0;
	[tilespmem:s0+$0xFFFFFFE0] =	vst v2  }
0x1c7: {  	[tilespmem:s0+$0x20] =	vst v0  }
0x1c8: {  	v0 =	vld [tilespmem:s1+$0x7650]  }
0x1c9: {  	v62 =	vld [tilespmem:s1+$0x5850]  }
0x1ca: {  	v2 =	vld [tilespmem:s1+$0x6C50]  }
0x1cb: {  	v63 =	vld [tilespmem:s1+$0x6250];
	_ =	sdelay $0x4  }
0x1cc: {  	v1 =	vadd.bf16 v2, v62;
	v0 =	vadd.bf16 v0, v63;
	_ =	sdelay $0x1  }
0x1cd: {  	v2 =	vand.u32 $0xFFFF, v1;
	v3 =	vshll.u32 v0, $0x10  }
0x1ce: {  	v1 =	vshrl.u32 v1, $0x10;
	v0 =	vand.u32 $0xFFFF0000, v0;
	v2 =	vor.u32 v2, v3  }
0x1cf: {  	v0 =	vor.u32 v1, v0;
	[tilespmem:s0+$0xFFFFFFF0] =	vst v2  }
0x1d0: {  	s16 =	rddreg [dreg:$0x5];
	[tilespmem:s0+$0x30] =	vst v0  }
0x1d1: {  	[hbm4b:s16+s3] =	stream.linear.scatter [tilespmem:s25], [sflag:$0x3], $0x1400, $0x38;
	[tilespmem:$0xC620] =	vst v63  }
0x1d2: {  	_ =	swait.ge [sflag:s29], $0x1400  }
0x1d3: {  	[sflag:s29] =	ssyncset.done $0x0  }
0x1d4: {  	s18 =	simm.s32 $0x4;
	[sflag:s29] =	ssyncadd.s32 $0xFFFFEC00  }
0x1d5: {  	_ =	swait.ge [sflag:s18], $0x1400  }
0x1d6: {  	s31 =	sadd.s32 $0x1, s31;
	s30 =	rddreg [dreg:$0x6]  }
0x1d7: {  	p0 =	sne.s32 s31, s30  }
.Ltmp4:
0x1d8: {  	_ = 	snop;
	(pc) =	sbr.rel @p0 .LBB2_1-.Ltmp4, $3  }
0x1d9: {  	_ =	sdelay $0x1  }
0x1da: {  	[sflag:s18] =	ssyncset.done $0x0  }
0x1db: {  	[sflag:s18] =	ssyncadd.s32 $0xFFFFEC00  }
0x1dc: {  	_ =	sfence.sel $0x180000  }
0x1dd: {  	[bflag:$0x0] =	sbarrier.arrive $0xFFFF  }
0x1de: {  	_ =	strace $0x90000047  }
0x1df: {  	s0 =	stileid.u32;
	[bflag:$0x2] =	sbarrier.arrive $0xFFFF  }
0x1e0: {  	p0 =	sne.s32 s0, $0x0;
	s0 =	rddreg [dreg:$0x2]  }
0x1e1: {  	s0 =	sadd.s32 @!p0 $0x100000, s0  }
0x1e2: {  	[sflag:s0] =	ssyncadd.tile.s32 @!p0 $0x1;
	_ =	shalt  }
.Lfunc_end2:
_tile_overlayer_lowered:
.L_overlay_start_2:
0x1e3: {  	(tag) =	ssettag $0x2  }
0x1e4: {  	s0 =	rddreg [dreg:$0x0];
	s2 =	stileid.u32  }
0x1e5: {  	s1 =	rddreg [dreg:$0x1];
	p0 =	sne.s32 s2, $0x0  }
0x1e6: {  	s3 =	rddreg [dreg:$0x2];
	[bflag:$0x3] =	sbarrier.arrive $0xFFFF;
	s2 =	simm.s32 @!p0 $0x1C05  }
0x1e7: {  	[timem:s3], [sflag:s2] =	dma.local @!p0 [hbm:s0], s1  }
0x1e8: {  	s0 =	simm.s32 @!p0 $0x5  }
0x1e9: {  	_ =	swait.ge @!p0 [sflag:s0], s1  }
0x1ea: {  	s1 =	ssub.s32 @!p0 $0x0, s1;
	[sflag:s0] =	ssyncset.done @!p0 $0x0  }
0x1eb: {  	[sflag:s0] =	ssyncadd.s32 @!p0 s1  }
0x1ec: {  	[bflag:$0x3] =	sbarrier.arrive $0xFFFF  }
0x1ed: {  	_ =	shalt  }

</sc_bundles>
